<compile_context>
chip_gen: v7x
topology: tpu7x:2x2x1
jax: 0.10.2.dev20260603
libtpu: 0.0.44.dev20260713+nightly
codegen_flags: <defaults>
</compile_context>

<pallas_src>
import functools

import jax
import jax.numpy as jnp
from jax import lax
from jax.experimental import pallas as pl
from jax.experimental.pallas import tpu as pltpu
from jax.experimental.pallas import tpu_sc as plsc

N = 10000
F = 128
HID = 256
NC = 2
NS = 16
NW = NC * NS
CHB = 128
NCH = 81
NCHS = 88
PT = NCH * CHB
E_PAD = NW * PT
HALVES = ((0, 48, 48), (48, 34, 40))
NACC = 10240
DPT = NACC // NS
NACC_D = 10240
DPT_D = NACC_D // NS
DUMMY = N

_mesh = plsc.VectorSubcoreMesh(core_axis_name="c", subcore_axis_name="s")



@functools.partial(
    pl.kernel,
    out_type=jax.ShapeDtypeStruct((NC * NACC_D,), jnp.float32),
    mesh=_mesh,
    scratch_types=[
        pltpu.VMEM((NCHS, CHB), jnp.int32),
        pltpu.VMEM((CHB,), jnp.float32),
        pltpu.VMEM_SHARED((NACC_D,), jnp.float32),
    ],
)
def _deg_call(dst_hbm, zd_hbm, out_hbm, dst_all, ones_v, acc):
    c = lax.axis_index("c")
    s = lax.axis_index("s")
    wid = s * NC + c
    pltpu.sync_copy(zd_hbm, acc.at[pl.ds(s * DPT_D, DPT_D)])
    pltpu.sync_copy(dst_hbm.at[pl.ds(wid * NCHS, NCHS)], dst_all)
    ones16 = jnp.ones((16,), jnp.float32)
    for i in range(CHB // 16):
        ones_v[pl.ds(i * 16, 16)] = ones16
    plsc.subcore_barrier()

    @pl.loop(0, NCH)
    def _(r):
        pltpu.sync_copy(ones_v, acc.at[dst_all.at[r]], add=True)

    plsc.subcore_barrier()
    pltpu.sync_copy(acc.at[pl.ds(s * DPT_D, DPT_D)],
                    out_hbm.at[pl.ds(c * NACC_D + s * DPT_D, DPT_D)])


@functools.partial(
    pl.kernel,
    out_type=jax.ShapeDtypeStruct((NC * NACC, F), jnp.float32),
    mesh=_mesh,
    scratch_types=[
        pltpu.VMEM((48, CHB), jnp.int32),
        pltpu.VMEM((48, CHB), jnp.int32),
        pltpu.VMEM((CHB, F), jnp.float32),
        pltpu.VMEM((CHB, F), jnp.float32),
        pltpu.VMEM_SHARED((NACC, F), jnp.float32),
        pltpu.SemaphoreType.DMA,
        pltpu.SemaphoreType.DMA,
        pltpu.SemaphoreType.DMA,
        pltpu.SemaphoreType.DMA,
    ],
)
def _agg_call(tab_hbm, src_hbm, dst_hbm, zc_hbm, out_hbm,
              sidx, didx, rows0, rows1, acc, gsem0, gsem1, ssem0, ssem1):
    c = lax.axis_index("c")
    s = lax.axis_index("s")
    wid = s * NC + c
    pltpu.sync_copy(zc_hbm, acc.at[pl.ds(s * DPT, DPT)])
    plsc.subcore_barrier()

    for base, nk, nrows in HALVES:
        pltpu.sync_copy(src_hbm.at[pl.ds(wid * NCHS + base, nrows)],
                        sidx.at[pl.ds(0, nrows)])
        pltpu.sync_copy(dst_hbm.at[pl.ds(wid * NCHS + base, nrows)],
                        didx.at[pl.ds(0, nrows)])

        @pl.loop(0, nk // 2)
        def _(r):
            k = r * 2
            g0 = pltpu.async_copy(tab_hbm.at[sidx.at[k]], rows0, gsem0)
            g1 = pltpu.async_copy(tab_hbm.at[sidx.at[k + 1]], rows1, gsem1)
            g0.wait()
            s0 = pltpu.async_copy(rows0, acc.at[didx.at[k]], ssem0,
                                  add=True)
            g1.wait()
            s1 = pltpu.async_copy(rows1, acc.at[didx.at[k + 1]], ssem1,
                                  add=True)
            s0.wait()
            s1.wait()

    plsc.subcore_barrier()
    pltpu.sync_copy(acc.at[pl.ds(s * DPT, DPT)],
                    out_hbm.at[pl.ds(c * NACC + s * DPT, DPT)])



def _dinv_body(degp_ref, dinv_ref):
    deg = degp_ref[0] + degp_ref[1]
    dinv_ref[...] = jnp.where(
        deg > 0, lax.rsqrt(jnp.maximum(deg, 1e-12)), 0.0)


_dinv_call = pl.pallas_call(
    _dinv_body,
    out_shape=jax.ShapeDtypeStruct((NACC_D // 128, 128), jnp.float32),
)

_BR = 2000
_GRID = N // _BR


def _scale_body(x_ref, d_ref, o_ref):
    o_ref[...] = x_ref[...] * d_ref[...]


_scale_call = pl.pallas_call(
    _scale_body,
    grid=(_GRID,),
    in_specs=[
        pl.BlockSpec((_BR, F), lambda i: (i, 0)),
        pl.BlockSpec((_BR, 1), lambda i: (i, 0)),
    ],
    out_specs=pl.BlockSpec((_BR, F), lambda i: (i, 0)),
    out_shape=jax.ShapeDtypeStruct((N, F), jnp.float32),
)


def _mlp_body(p_ref, d_ref, w1_ref, b1_ref, w2_ref, y_ref):
    agg = (p_ref[0] + p_ref[1]) * d_ref[...]
    h = jnp.dot(agg, w1_ref[...], preferred_element_type=jnp.float32)
    h = jnp.maximum(h + b1_ref[...], 0.0)
    y = jnp.dot(h, w2_ref[...], preferred_element_type=jnp.float32)
    y_ref[...] = y * d_ref[...]


_mlp_call = pl.pallas_call(
    _mlp_body,
    grid=(_GRID,),
    in_specs=[
        pl.BlockSpec((2, _BR, F), lambda i: (0, i, 0)),
        pl.BlockSpec((_BR, 1), lambda i: (i, 0)),
        pl.BlockSpec((F, HID), lambda i: (0, 0)),
        pl.BlockSpec((1, HID), lambda i: (0, 0)),
        pl.BlockSpec((HID, F), lambda i: (0, 0)),
    ],
    out_specs=pl.BlockSpec((_BR, F), lambda i: (i, 0)),
    out_shape=jax.ShapeDtypeStruct((N, F), jnp.float32),
)


def _final_body(p_ref, d_ref, b2_ref, o_ref):
    o_ref[...] = (p_ref[0] + p_ref[1]) * d_ref[...] + b2_ref[...]


_final_call = pl.pallas_call(
    _final_body,
    grid=(_GRID,),
    in_specs=[
        pl.BlockSpec((2, _BR, F), lambda i: (0, i, 0)),
        pl.BlockSpec((_BR, 1), lambda i: (i, 0)),
        pl.BlockSpec((1, F), lambda i: (0, 0)),
    ],
    out_specs=pl.BlockSpec((_BR, F), lambda i: (i, 0)),
    out_shape=jax.ShapeDtypeStruct((N, F), jnp.float32),
)



def kernel(x, edge_index, W1, b1, W2, b2):
    loop = jnp.arange(N, dtype=jnp.int32)
    npad = E_PAD - (edge_index.shape[1] + N)
    pad_ids = jnp.arange(npad, dtype=jnp.int32)
    src = jnp.concatenate([edge_index[0], loop, pad_ids % N])
    dst = jnp.concatenate([edge_index[1], loop, DUMMY + pad_ids % (NACC - N)])
    nslabpad = NW * (NCHS - NCH) * CHB
    slab_ids = jnp.arange(nslabpad, dtype=jnp.int32)
    src2d = jnp.concatenate(
        [src.reshape(NW, NCH, CHB),
         (slab_ids % N).reshape(NW, NCHS - NCH, CHB)],
        axis=1).reshape(NW * NCHS, CHB)
    dst2d = jnp.concatenate(
        [dst.reshape(NW, NCH, CHB),
         (DUMMY + slab_ids % (NACC - N)).reshape(NW, NCHS - NCH, CHB)],
        axis=1).reshape(NW * NCHS, CHB)
    zd = jnp.zeros((DPT_D,), jnp.float32)
    zc = jnp.zeros((DPT, F), jnp.float32)

    degp = _deg_call(dst2d, zd)
    dinv2d = _dinv_call(degp.reshape(2, NACC_D // 128, 128))
    dinv_col = dinv2d.reshape(NACC_D, 1)[:N]
    xs = _scale_call(x, dinv_col)
    p1 = _agg_call(xs, src2d, dst2d, zc).reshape(2, NACC, F)
    y = _mlp_call(p1, dinv_col, W1, b1.reshape(1, HID), W2)
    p2 = _agg_call(y, src2d, dst2d, zc).reshape(2, NACC, F)
    return _final_call(p2, dinv_col, b2.reshape(1, F))

# --- scband reference (transcript-rebuilt; emitter-appended) ---
"""Pipeline reference for scband-plain-gcn-39170101740084 (READ-ONLY COPY).

The authoritative reference and input builder live on the scoring server;
editing this copy changes nothing except your own understanding.
"""

import jax, jax.numpy as jnp
import numpy as np

N = 10000
E = 320000
IN_C = 128
HID = 256
NUM_CLASSES = 128

def _glorot(key, shape):
    s = float(np.sqrt(6.0 / (shape[0] + shape[1])))
    return jax.random.uniform(key, shape, jnp.float32, -s, s)

def setup_inputs(seed: int = 0):
    key = jax.random.key(seed)
    k1, k2, k3, k4 = jax.random.split(key, 4)
    x = jax.random.normal(k1, (N, IN_C), jnp.float32)
    edge_index = jax.random.randint(k2, (2, E), 0, N, jnp.int32)
    W1 = _glorot(k3, (IN_C, HID))
    b1 = jnp.zeros((HID,), jnp.float32)
    W2 = _glorot(k4, (HID, NUM_CLASSES))
    b2 = jnp.zeros((NUM_CLASSES,), jnp.float32)
    return {"x": x, "edge_index": edge_index, "W1": W1, "b1": b1, "W2": W2, "b2": b2}

def _gcn_conv(h, W, b, src, dst, num_nodes):
    # GCNConv (Kipf & Welling) with add_self_loops=True (self loops appended by caller)
    h = h @ W
    ones = jnp.ones(src.shape[0], jnp.float32)
    deg = jnp.zeros((num_nodes,), jnp.float32).at[dst].add(ones)
    dinv = jnp.where(deg > 0, jax.lax.rsqrt(jnp.maximum(deg, 1e-12)), 0.0)
    norm = dinv[src] * dinv[dst]
    msg = h[src] * norm[:, None]
    out = jnp.zeros((num_nodes, h.shape[1]), h.dtype).at[dst].add(msg)
    return out + b

def reference(x, edge_index, W1, b1, W2, b2):
    # eval mode: dropout is identity; use_struct=False; input_mlp unused in forward
    num_nodes = x.shape[0]
    loop = jnp.arange(num_nodes, dtype=edge_index.dtype)
    src = jnp.concatenate([edge_index[0], loop])
    dst = jnp.concatenate([edge_index[1], loop])
    h = _gcn_conv(x, W1, b1, src, dst, num_nodes)
    h = jax.nn.relu(h)
    h = _gcn_conv(h, W2, b2, src, dst, num_nodes)
    return h

if __name__ == "__main__":
    import jax
    _d = setup_inputs()
    print(jax.jit(kernel)(*tuple(_d.values())))

</pallas_src>

<mosaic_0001>
#map = affine_map<(d0, d1) -> (0, 0)>
module attributes {stable_mosaic.version = 14 : i64} {
  func.func @_agg_call(%arg0: i32, %arg1: i32, %arg2: memref<10000x128xf32, #tpu.memory_space<hbm>>, %arg3: memref<2816x128xi32, #tpu.memory_space<hbm>>, %arg4: memref<2816x128xi32, #tpu.memory_space<hbm>>, %arg5: memref<640x128xf32, #tpu.memory_space<hbm>>, %arg6: memref<20480x128xf32, #tpu.memory_space<hbm>>, %arg7: memref<48x128xi32, #tpu.memory_space<vmem>>, %arg8: memref<48x128xi32, #tpu.memory_space<vmem>>, %arg9: memref<128x128xf32, #tpu.memory_space<vmem>>, %arg10: memref<128x128xf32, #tpu.memory_space<vmem>>, %arg11: memref<10240x128xf32, #tpu.memory_space<vmem_shared>>, %arg12: memref<!tpu.dma_semaphore, #tpu.memory_space<semaphore_mem>>, %arg13: memref<!tpu.dma_semaphore, #tpu.memory_space<semaphore_mem>>, %arg14: memref<!tpu.dma_semaphore, #tpu.memory_space<semaphore_mem>>, %arg15: memref<!tpu.dma_semaphore, #tpu.memory_space<semaphore_mem>>) attributes {dimension_semantics = [#tpu.dimension_semantics<core_parallel>, #tpu.dimension_semantics<subcore_parallel>], iteration_bounds = array<i64: 2, 16>, scalar_prefetch = 0 : i64, scratch_operands = 9 : i64, tpu.core_type = #tpu.core_type<sc_vector_subcore>, window_params = [{transform_indices = #map}, {transform_indices = #map}, {transform_indices = #map}, {transform_indices = #map}, {transform_indices = #map}]} {
    %mul3A = arith.constant 2 : i32
    %mul3A_0 = arith.muli %arg1, %mul3A : i32
    %add3A = arith.addi %mul3A_0, %arg0 : i32
    %mul3A_1 = arith.constant 640 : i32
    %mul3A_2 = arith.muli %arg1, %mul3A_1 : i32
    "tpu.region"() ({
      %run_scoped3A = tpu.sem_alloc : memref<!tpu.dma_semaphore, #tpu.memory_space<semaphore_mem>>
      %dma_start3A = arith.constant 0 : i32
      %dma_start3A_36 = tpu.memref_slice %arg11[%mul3A_2, %dma_start3A] : memref<10240x128xf32, #tpu.memory_space<vmem_shared>> -> memref<640x128xf32, #tpu.memory_space<vmem_shared>>
      tpu.enqueue_dma source(%arg5 : memref<640x128xf32, #tpu.memory_space<hbm>>) target(%dma_start3A_36 : memref<640x128xf32, #tpu.memory_space<vmem_shared>>) target_semaphore(%run_scoped3A : memref<!tpu.dma_semaphore, #tpu.memory_space<semaphore_mem>>)
      %dma_wait3A = arith.constant 0 : i32
      %dma_wait3A_37 = tpu.memref_slice %arg11[%mul3A_2, %dma_wait3A] : memref<10240x128xf32, #tpu.memory_space<vmem_shared>> -> memref<640x128xf32, #tpu.memory_space<vmem_shared>>
      tpu.wait_dma2 semaphore(%run_scoped3A : memref<!tpu.dma_semaphore, #tpu.memory_space<semaphore_mem>>) src(%arg5 : memref<640x128xf32, #tpu.memory_space<hbm>>) dst(%dma_wait3A_37 : memref<640x128xf32, #tpu.memory_space<vmem_shared>>)
      tpu.yield
    }) : () -> ()
    %barrier3A = arith.constant 0 : index
    tpu.barrier barrier_id(%barrier3A)
    %mul3A_3 = arith.constant 88 : i32
    %mul3A_4 = arith.muli %add3A, %mul3A_3 : i32
    %add3A_5 = arith.constant 0 : i32
    %add3A_6 = arith.addi %mul3A_4, %add3A_5 : i32
    "tpu.region"() ({
      %run_scoped3A = tpu.sem_alloc : memref<!tpu.dma_semaphore, #tpu.memory_space<semaphore_mem>>
      %dma_start3A = arith.constant 0 : i32
      %dma_start3A_36 = arith.constant 0 : i32
      %dma_start3A_37 = tpu.memref_slice %arg7[%dma_start3A, %dma_start3A_36] : memref<48x128xi32, #tpu.memory_space<vmem>> -> memref<48x128xi32, #tpu.memory_space<vmem>>
      %dma_start3A_38 = arith.constant 0 : i32
      %dma_start3A_39 = tpu.memref_slice %arg3[%add3A_6, %dma_start3A_38] : memref<2816x128xi32, #tpu.memory_space<hbm>> -> memref<48x128xi32, #tpu.memory_space<hbm>>
      %dma_start3A_40 = arith.constant 0 : i32
      %dma_start3A_41 = arith.constant 0 : i32
      %dma_start3A_42 = tpu.memref_slice %arg7[%dma_start3A_40, %dma_start3A_41] : memref<48x128xi32, #tpu.memory_space<vmem>> -> memref<48x128xi32, #tpu.memory_space<vmem>>
      %dma_start3A_43 = arith.constant 0 : i32
      %dma_start3A_44 = tpu.memref_slice %arg3[%add3A_6, %dma_start3A_43] : memref<2816x128xi32, #tpu.memory_space<hbm>> -> memref<48x128xi32, #tpu.memory_space<hbm>>
      tpu.enqueue_dma source(%dma_start3A_44 : memref<48x128xi32, #tpu.memory_space<hbm>>) target(%dma_start3A_42 : memref<48x128xi32, #tpu.memory_space<vmem>>) target_semaphore(%run_scoped3A : memref<!tpu.dma_semaphore, #tpu.memory_space<semaphore_mem>>)
      %dma_wait3A = arith.constant 0 : i32
      %dma_wait3A_45 = arith.constant 0 : i32
      %dma_wait3A_46 = tpu.memref_slice %arg7[%dma_wait3A, %dma_wait3A_45] : memref<48x128xi32, #tpu.memory_space<vmem>> -> memref<48x128xi32, #tpu.memory_space<vmem>>
      %dma_wait3A_47 = arith.constant 0 : i32
      %dma_wait3A_48 = tpu.memref_slice %arg3[%add3A_6, %dma_wait3A_47] : memref<2816x128xi32, #tpu.memory_space<hbm>> -> memref<48x128xi32, #tpu.memory_space<hbm>>
      %dma_wait3A_49 = arith.constant 0 : i32
      %dma_wait3A_50 = arith.constant 0 : i32
      %dma_wait3A_51 = tpu.memref_slice %arg7[%dma_wait3A_49, %dma_wait3A_50] : memref<48x128xi32, #tpu.memory_space<vmem>> -> memref<48x128xi32, #tpu.memory_space<vmem>>
      %dma_wait3A_52 = arith.constant 0 : i32
      %dma_wait3A_53 = tpu.memref_slice %arg3[%add3A_6, %dma_wait3A_52] : memref<2816x128xi32, #tpu.memory_space<hbm>> -> memref<48x128xi32, #tpu.memory_space<hbm>>
      tpu.wait_dma2 semaphore(%run_scoped3A : memref<!tpu.dma_semaphore, #tpu.memory_space<semaphore_mem>>) src(%dma_wait3A_53 : memref<48x128xi32, #tpu.memory_space<hbm>>) dst(%dma_wait3A_51 : memref<48x128xi32, #tpu.memory_space<vmem>>)
      tpu.yield
    }) : () -> ()
    %mul3A_7 = arith.constant 88 : i32
    %mul3A_8 = arith.muli %add3A, %mul3A_7 : i32
    %add3A_9 = arith.constant 0 : i32
    %add3A_10 = arith.addi %mul3A_8, %add3A_9 : i32
    "tpu.region"() ({
      %run_scoped3A = tpu.sem_alloc : memref<!tpu.dma_semaphore, #tpu.memory_space<semaphore_mem>>
      %dma_start3A = arith.constant 0 : i32
      %dma_start3A_36 = arith.constant 0 : i32
      %dma_start3A_37 = tpu.memref_slice %arg8[%dma_start3A, %dma_start3A_36] : memref<48x128xi32, #tpu.memory_space<vmem>> -> memref<48x128xi32, #tpu.memory_space<vmem>>
      %dma_start3A_38 = arith.constant 0 : i32
      %dma_start3A_39 = tpu.memref_slice %arg4[%add3A_10, %dma_start3A_38] : memref<2816x128xi32, #tpu.memory_space<hbm>> -> memref<48x128xi32, #tpu.memory_space<hbm>>
      %dma_start3A_40 = arith.constant 0 : i32
      %dma_start3A_41 = arith.constant 0 : i32
      %dma_start3A_42 = tpu.memref_slice %arg8[%dma_start3A_40, %dma_start3A_41] : memref<48x128xi32, #tpu.memory_space<vmem>> -> memref<48x128xi32, #tpu.memory_space<vmem>>
      %dma_start3A_43 = arith.constant 0 : i32
      %dma_start3A_44 = tpu.memref_slice %arg4[%add3A_10, %dma_start3A_43] : memref<2816x128xi32, #tpu.memory_space<hbm>> -> memref<48x128xi32, #tpu.memory_space<hbm>>
      tpu.enqueue_dma source(%dma_start3A_44 : memref<48x128xi32, #tpu.memory_space<hbm>>) target(%dma_start3A_42 : memref<48x128xi32, #tpu.memory_space<vmem>>) target_semaphore(%run_scoped3A : memref<!tpu.dma_semaphore, #tpu.memory_space<semaphore_mem>>)
      %dma_wait3A = arith.constant 0 : i32
      %dma_wait3A_45 = arith.constant 0 : i32
      %dma_wait3A_46 = tpu.memref_slice %arg8[%dma_wait3A, %dma_wait3A_45] : memref<48x128xi32, #tpu.memory_space<vmem>> -> memref<48x128xi32, #tpu.memory_space<vmem>>
      %dma_wait3A_47 = arith.constant 0 : i32
      %dma_wait3A_48 = tpu.memref_slice %arg4[%add3A_10, %dma_wait3A_47] : memref<2816x128xi32, #tpu.memory_space<hbm>> -> memref<48x128xi32, #tpu.memory_space<hbm>>
      %dma_wait3A_49 = arith.constant 0 : i32
      %dma_wait3A_50 = arith.constant 0 : i32
      %dma_wait3A_51 = tpu.memref_slice %arg8[%dma_wait3A_49, %dma_wait3A_50] : memref<48x128xi32, #tpu.memory_space<vmem>> -> memref<48x128xi32, #tpu.memory_space<vmem>>
      %dma_wait3A_52 = arith.constant 0 : i32
      %dma_wait3A_53 = tpu.memref_slice %arg4[%add3A_10, %dma_wait3A_52] : memref<2816x128xi32, #tpu.memory_space<hbm>> -> memref<48x128xi32, #tpu.memory_space<hbm>>
      tpu.wait_dma2 semaphore(%run_scoped3A : memref<!tpu.dma_semaphore, #tpu.memory_space<semaphore_mem>>) src(%dma_wait3A_53 : memref<48x128xi32, #tpu.memory_space<hbm>>) dst(%dma_wait3A_51 : memref<48x128xi32, #tpu.memory_space<vmem>>)
      tpu.yield
    }) : () -> ()
    %scan3A = arith.constant 0 : i32
    %scan3A_11 = arith.constant 24 : i32
    %scan3A_12 = arith.addi %scan3A, %scan3A_11 : i32
    %scan3A_13 = arith.constant 1 : i32
    scf.for %scan3A_36 = %scan3A to %scan3A_12 step %scan3A_13  : i32 {
      %mul3A_37 = arith.constant 1 : i32
      %mul3A_38 = arith.muli %scan3A_36, %mul3A_37 : i32
      %add3A_39 = arith.constant 0 : i32
      %add3A_40 = arith.addi %add3A_39, %mul3A_38 : i32
      %mul3A_41 = arith.constant 2 : i32
      %mul3A_42 = arith.muli %add3A_40, %mul3A_41 : i32
      %dma_start3A = arith.constant 0 : i32
      %dma_start3A_43 = tpu.memref_slice %arg7[%mul3A_42, %dma_start3A] : memref<48x128xi32, #tpu.memory_space<vmem>> -> memref<1x128xi32, #tpu.memory_space<vmem>>
      %dma_start3A_44 = tpu.memref_squeeze %dma_start3A_43 : memref<1x128xi32, #tpu.memory_space<vmem>> -> memref<128xi32, #tpu.memory_space<vmem>>
      %dma_start3A_45 = arith.constant 0 : i32
      %dma_start3A_46 = arith.constant 0 : i32
      %dma_start3A_47 = tpu.memref_slice %arg2[%dma_start3A_45, %dma_start3A_46] : memref<10000x128xf32, #tpu.memory_space<hbm>> -> memref<10000x128xf32, #tpu.memory_space<hbm>>
      tpu.enqueue_indirect_dma source(%dma_start3A_47 : memref<10000x128xf32, #tpu.memory_space<hbm>>) target(%arg9 : memref<128x128xf32, #tpu.memory_space<vmem>>) offsets(%dma_start3A_44 : memref<128xi32, #tpu.memory_space<vmem>>) semaphore(%arg12 : memref<!tpu.dma_semaphore, #tpu.memory_space<semaphore_mem>>)
      %add3A_48 = arith.constant 1 : i32
      %add3A_49 = arith.addi %mul3A_42, %add3A_48 : i32
      %dma_start3A_50 = arith.constant 0 : i32
      %dma_start3A_51 = tpu.memref_slice %arg7[%add3A_49, %dma_start3A_50] : memref<48x128xi32, #tpu.memory_space<vmem>> -> memref<1x128xi32, #tpu.memory_space<vmem>>
      %dma_start3A_52 = tpu.memref_squeeze %dma_start3A_51 : memref<1x128xi32, #tpu.memory_space<vmem>> -> memref<128xi32, #tpu.memory_space<vmem>>
      %dma_start3A_53 = arith.constant 0 : i32
      %dma_start3A_54 = arith.constant 0 : i32
      %dma_start3A_55 = tpu.memref_slice %arg2[%dma_start3A_53, %dma_start3A_54] : memref<10000x128xf32, #tpu.memory_space<hbm>> -> memref<10000x128xf32, #tpu.memory_space<hbm>>
      tpu.enqueue_indirect_dma source(%dma_start3A_55 : memref<10000x128xf32, #tpu.memory_space<hbm>>) target(%arg10 : memref<128x128xf32, #tpu.memory_space<vmem>>) offsets(%dma_start3A_52 : memref<128xi32, #tpu.memory_space<vmem>>) semaphore(%arg13 : memref<!tpu.dma_semaphore, #tpu.memory_space<semaphore_mem>>)
      %dma_wait3A = arith.constant 0 : i32
      %dma_wait3A_56 = tpu.memref_slice %arg7[%mul3A_42, %dma_wait3A] : memref<48x128xi32, #tpu.memory_space<vmem>> -> memref<1x128xi32, #tpu.memory_space<vmem>>
      %dma_wait3A_57 = tpu.memref_squeeze %dma_wait3A_56 : memref<1x128xi32, #tpu.memory_space<vmem>> -> memref<128xi32, #tpu.memory_space<vmem>>
      %dma_wait3A_58 = arith.constant 0 : i32
      %dma_wait3A_59 = arith.constant 0 : i32
      %dma_wait3A_60 = tpu.memref_slice %arg2[%dma_wait3A_58, %dma_wait3A_59] : memref<10000x128xf32, #tpu.memory_space<hbm>> -> memref<10000x128xf32, #tpu.memory_space<hbm>>
      tpu.wait_indirect_dma semaphore(%arg12 : memref<!tpu.dma_semaphore, #tpu.memory_space<semaphore_mem>>) src(%dma_wait3A_60 : memref<10000x128xf32, #tpu.memory_space<hbm>>) dst(%arg9 : memref<128x128xf32, #tpu.memory_space<vmem>>)
      %dma_start3A_61 = arith.constant 0 : i32
      %dma_start3A_62 = tpu.memref_slice %arg8[%mul3A_42, %dma_start3A_61] : memref<48x128xi32, #tpu.memory_space<vmem>> -> memref<1x128xi32, #tpu.memory_space<vmem>>
      %dma_start3A_63 = tpu.memref_squeeze %dma_start3A_62 : memref<1x128xi32, #tpu.memory_space<vmem>> -> memref<128xi32, #tpu.memory_space<vmem>>
      %dma_start3A_64 = arith.constant 0 : i32
      %dma_start3A_65 = arith.constant 0 : i32
      %dma_start3A_66 = tpu.memref_slice %arg11[%dma_start3A_64, %dma_start3A_65] : memref<10240x128xf32, #tpu.memory_space<vmem_shared>> -> memref<10240x128xf32, #tpu.memory_space<vmem_shared>>
      tpu.enqueue_indirect_dma source(%arg9 : memref<128x128xf32, #tpu.memory_space<vmem>>) target(%dma_start3A_66 : memref<10240x128xf32, #tpu.memory_space<vmem_shared>>) offsets(%dma_start3A_63 : memref<128xi32, #tpu.memory_space<vmem>>) semaphore(%arg14 : memref<!tpu.dma_semaphore, #tpu.memory_space<semaphore_mem>>) {add = true}
      %dma_wait3A_67 = arith.constant 0 : i32
      %dma_wait3A_68 = tpu.memref_slice %arg7[%add3A_49, %dma_wait3A_67] : memref<48x128xi32, #tpu.memory_space<vmem>> -> memref<1x128xi32, #tpu.memory_space<vmem>>
      %dma_wait3A_69 = tpu.memref_squeeze %dma_wait3A_68 : memref<1x128xi32, #tpu.memory_space<vmem>> -> memref<128xi32, #tpu.memory_space<vmem>>
      %dma_wait3A_70 = arith.constant 0 : i32
      %dma_wait3A_71 = arith.constant 0 : i32
      %dma_wait3A_72 = tpu.memref_slice %arg2[%dma_wait3A_70, %dma_wait3A_71] : memref<10000x128xf32, #tpu.memory_space<hbm>> -> memref<10000x128xf32, #tpu.memory_space<hbm>>
      tpu.wait_indirect_dma semaphore(%arg13 : memref<!tpu.dma_semaphore, #tpu.memory_space<semaphore_mem>>) src(%dma_wait3A_72 : memref<10000x128xf32, #tpu.memory_space<hbm>>) dst(%arg10 : memref<128x128xf32, #tpu.memory_space<vmem>>)
      %add3A_73 = arith.constant 1 : i32
      %add3A_74 = arith.addi %mul3A_42, %add3A_73 : i32
      %dma_start3A_75 = arith.constant 0 : i32
      %dma_start3A_76 = tpu.memref_slice %arg8[%add3A_74, %dma_start3A_75] : memref<48x128xi32, #tpu.memory_space<vmem>> -> memref<1x128xi32, #tpu.memory_space<vmem>>
      %dma_start3A_77 = tpu.memref_squeeze %dma_start3A_76 : memref<1x128xi32, #tpu.memory_space<vmem>> -> memref<128xi32, #tpu.memory_space<vmem>>
      %dma_start3A_78 = arith.constant 0 : i32
      %dma_start3A_79 = arith.constant 0 : i32
      %dma_start3A_80 = tpu.memref_slice %arg11[%dma_start3A_78, %dma_start3A_79] : memref<10240x128xf32, #tpu.memory_space<vmem_shared>> -> memref<10240x128xf32, #tpu.memory_space<vmem_shared>>
      tpu.enqueue_indirect_dma source(%arg10 : memref<128x128xf32, #tpu.memory_space<vmem>>) target(%dma_start3A_80 : memref<10240x128xf32, #tpu.memory_space<vmem_shared>>) offsets(%dma_start3A_77 : memref<128xi32, #tpu.memory_space<vmem>>) semaphore(%arg15 : memref<!tpu.dma_semaphore, #tpu.memory_space<semaphore_mem>>) {add = true}
      %dma_wait3A_81 = arith.constant 0 : i32
      %dma_wait3A_82 = tpu.memref_slice %arg8[%mul3A_42, %dma_wait3A_81] : memref<48x128xi32, #tpu.memory_space<vmem>> -> memref<1x128xi32, #tpu.memory_space<vmem>>
      %dma_wait3A_83 = tpu.memref_squeeze %dma_wait3A_82 : memref<1x128xi32, #tpu.memory_space<vmem>> -> memref<128xi32, #tpu.memory_space<vmem>>
      %dma_wait3A_84 = arith.constant 0 : i32
      %dma_wait3A_85 = arith.constant 0 : i32
      %dma_wait3A_86 = tpu.memref_slice %arg11[%dma_wait3A_84, %dma_wait3A_85] : memref<10240x128xf32, #tpu.memory_space<vmem_shared>> -> memref<10240x128xf32, #tpu.memory_space<vmem_shared>>
      tpu.wait_indirect_dma semaphore(%arg14 : memref<!tpu.dma_semaphore, #tpu.memory_space<semaphore_mem>>) src(%arg9 : memref<128x128xf32, #tpu.memory_space<vmem>>) dst(%dma_wait3A_86 : memref<10240x128xf32, #tpu.memory_space<vmem_shared>>)
      %dma_wait3A_87 = arith.constant 0 : i32
      %dma_wait3A_88 = tpu.memref_slice %arg8[%add3A_74, %dma_wait3A_87] : memref<48x128xi32, #tpu.memory_space<vmem>> -> memref<1x128xi32, #tpu.memory_space<vmem>>
      %dma_wait3A_89 = tpu.memref_squeeze %dma_wait3A_88 : memref<1x128xi32, #tpu.memory_space<vmem>> -> memref<128xi32, #tpu.memory_space<vmem>>
      %dma_wait3A_90 = arith.constant 0 : i32
      %dma_wait3A_91 = arith.constant 0 : i32
      %dma_wait3A_92 = tpu.memref_slice %arg11[%dma_wait3A_90, %dma_wait3A_91] : memref<10240x128xf32, #tpu.memory_space<vmem_shared>> -> memref<10240x128xf32, #tpu.memory_space<vmem_shared>>
      tpu.wait_indirect_dma semaphore(%arg15 : memref<!tpu.dma_semaphore, #tpu.memory_space<semaphore_mem>>) src(%arg10 : memref<128x128xf32, #tpu.memory_space<vmem>>) dst(%dma_wait3A_92 : memref<10240x128xf32, #tpu.memory_space<vmem_shared>>)
    }
    %scan3A_14 = arith.constant 24 : i32
    %mul3A_15 = arith.constant 88 : i32
    %mul3A_16 = arith.muli %add3A, %mul3A_15 : i32
    %add3A_17 = arith.constant 48 : i32
    %add3A_18 = arith.addi %mul3A_16, %add3A_17 : i32
    "tpu.region"() ({
      %run_scoped3A = tpu.sem_alloc : memref<!tpu.dma_semaphore, #tpu.memory_space<semaphore_mem>>
      %dma_start3A = arith.constant 0 : i32
      %dma_start3A_36 = arith.constant 0 : i32
      %dma_start3A_37 = tpu.memref_slice %arg7[%dma_start3A, %dma_start3A_36] : memref<48x128xi32, #tpu.memory_space<vmem>> -> memref<40x128xi32, #tpu.memory_space<vmem>>
      %dma_start3A_38 = arith.constant 0 : i32
      %dma_start3A_39 = tpu.memref_slice %arg3[%add3A_18, %dma_start3A_38] : memref<2816x128xi32, #tpu.memory_space<hbm>> -> memref<40x128xi32, #tpu.memory_space<hbm>>
      %dma_start3A_40 = arith.constant 0 : i32
      %dma_start3A_41 = arith.constant 0 : i32
      %dma_start3A_42 = tpu.memref_slice %arg7[%dma_start3A_40, %dma_start3A_41] : memref<48x128xi32, #tpu.memory_space<vmem>> -> memref<40x128xi32, #tpu.memory_space<vmem>>
      %dma_start3A_43 = arith.constant 0 : i32
      %dma_start3A_44 = tpu.memref_slice %arg3[%add3A_18, %dma_start3A_43] : memref<2816x128xi32, #tpu.memory_space<hbm>> -> memref<40x128xi32, #tpu.memory_space<hbm>>
      tpu.enqueue_dma source(%dma_start3A_44 : memref<40x128xi32, #tpu.memory_space<hbm>>) target(%dma_start3A_42 : memref<40x128xi32, #tpu.memory_space<vmem>>) target_semaphore(%run_scoped3A : memref<!tpu.dma_semaphore, #tpu.memory_space<semaphore_mem>>)
      %dma_wait3A = arith.constant 0 : i32
      %dma_wait3A_45 = arith.constant 0 : i32
      %dma_wait3A_46 = tpu.memref_slice %arg7[%dma_wait3A, %dma_wait3A_45] : memref<48x128xi32, #tpu.memory_space<vmem>> -> memref<40x128xi32, #tpu.memory_space<vmem>>
      %dma_wait3A_47 = arith.constant 0 : i32
      %dma_wait3A_48 = tpu.memref_slice %arg3[%add3A_18, %dma_wait3A_47] : memref<2816x128xi32, #tpu.memory_space<hbm>> -> memref<40x128xi32, #tpu.memory_space<hbm>>
      %dma_wait3A_49 = arith.constant 0 : i32
      %dma_wait3A_50 = arith.constant 0 : i32
      %dma_wait3A_51 = tpu.memref_slice %arg7[%dma_wait3A_49, %dma_wait3A_50] : memref<48x128xi32, #tpu.memory_space<vmem>> -> memref<40x128xi32, #tpu.memory_space<vmem>>
      %dma_wait3A_52 = arith.constant 0 : i32
      %dma_wait3A_53 = tpu.memref_slice %arg3[%add3A_18, %dma_wait3A_52] : memref<2816x128xi32, #tpu.memory_space<hbm>> -> memref<40x128xi32, #tpu.memory_space<hbm>>
      tpu.wait_dma2 semaphore(%run_scoped3A : memref<!tpu.dma_semaphore, #tpu.memory_space<semaphore_mem>>) src(%dma_wait3A_53 : memref<40x128xi32, #tpu.memory_space<hbm>>) dst(%dma_wait3A_51 : memref<40x128xi32, #tpu.memory_space<vmem>>)
      tpu.yield
    }) : () -> ()
    %mul3A_19 = arith.constant 88 : i32
    %mul3A_20 = arith.muli %add3A, %mul3A_19 : i32
    %add3A_21 = arith.constant 48 : i32
    %add3A_22 = arith.addi %mul3A_20, %add3A_21 : i32
    "tpu.region"() ({
      %run_scoped3A = tpu.sem_alloc : memref<!tpu.dma_semaphore, #tpu.memory_space<semaphore_mem>>
      %dma_start3A = arith.constant 0 : i32
      %dma_start3A_36 = arith.constant 0 : i32
      %dma_start3A_37 = tpu.memref_slice %arg8[%dma_start3A, %dma_start3A_36] : memref<48x128xi32, #tpu.memory_space<vmem>> -> memref<40x128xi32, #tpu.memory_space<vmem>>
      %dma_start3A_38 = arith.constant 0 : i32
      %dma_start3A_39 = tpu.memref_slice %arg4[%add3A_22, %dma_start3A_38] : memref<2816x128xi32, #tpu.memory_space<hbm>> -> memref<40x128xi32, #tpu.memory_space<hbm>>
      %dma_start3A_40 = arith.constant 0 : i32
      %dma_start3A_41 = arith.constant 0 : i32
      %dma_start3A_42 = tpu.memref_slice %arg8[%dma_start3A_40, %dma_start3A_41] : memref<48x128xi32, #tpu.memory_space<vmem>> -> memref<40x128xi32, #tpu.memory_space<vmem>>
      %dma_start3A_43 = arith.constant 0 : i32
      %dma_start3A_44 = tpu.memref_slice %arg4[%add3A_22, %dma_start3A_43] : memref<2816x128xi32, #tpu.memory_space<hbm>> -> memref<40x128xi32, #tpu.memory_space<hbm>>
      tpu.enqueue_dma source(%dma_start3A_44 : memref<40x128xi32, #tpu.memory_space<hbm>>) target(%dma_start3A_42 : memref<40x128xi32, #tpu.memory_space<vmem>>) target_semaphore(%run_scoped3A : memref<!tpu.dma_semaphore, #tpu.memory_space<semaphore_mem>>)
      %dma_wait3A = arith.constant 0 : i32
      %dma_wait3A_45 = arith.constant 0 : i32
      %dma_wait3A_46 = tpu.memref_slice %arg8[%dma_wait3A, %dma_wait3A_45] : memref<48x128xi32, #tpu.memory_space<vmem>> -> memref<40x128xi32, #tpu.memory_space<vmem>>
      %dma_wait3A_47 = arith.constant 0 : i32
      %dma_wait3A_48 = tpu.memref_slice %arg4[%add3A_22, %dma_wait3A_47] : memref<2816x128xi32, #tpu.memory_space<hbm>> -> memref<40x128xi32, #tpu.memory_space<hbm>>
      %dma_wait3A_49 = arith.constant 0 : i32
      %dma_wait3A_50 = arith.constant 0 : i32
      %dma_wait3A_51 = tpu.memref_slice %arg8[%dma_wait3A_49, %dma_wait3A_50] : memref<48x128xi32, #tpu.memory_space<vmem>> -> memref<40x128xi32, #tpu.memory_space<vmem>>
      %dma_wait3A_52 = arith.constant 0 : i32
      %dma_wait3A_53 = tpu.memref_slice %arg4[%add3A_22, %dma_wait3A_52] : memref<2816x128xi32, #tpu.memory_space<hbm>> -> memref<40x128xi32, #tpu.memory_space<hbm>>
      tpu.wait_dma2 semaphore(%run_scoped3A : memref<!tpu.dma_semaphore, #tpu.memory_space<semaphore_mem>>) src(%dma_wait3A_53 : memref<40x128xi32, #tpu.memory_space<hbm>>) dst(%dma_wait3A_51 : memref<40x128xi32, #tpu.memory_space<vmem>>)
      tpu.yield
    }) : () -> ()
    %scan3A_23 = arith.constant 0 : i32
    %scan3A_24 = arith.constant 17 : i32
    %scan3A_25 = arith.addi %scan3A_23, %scan3A_24 : i32
    %scan3A_26 = arith.constant 1 : i32
    scf.for %scan3A_36 = %scan3A_23 to %scan3A_25 step %scan3A_26  : i32 {
      %mul3A_37 = arith.constant 1 : i32
      %mul3A_38 = arith.muli %scan3A_36, %mul3A_37 : i32
      %add3A_39 = arith.constant 0 : i32
      %add3A_40 = arith.addi %add3A_39, %mul3A_38 : i32
      %mul3A_41 = arith.constant 2 : i32
      %mul3A_42 = arith.muli %add3A_40, %mul3A_41 : i32
      %dma_start3A = arith.constant 0 : i32
      %dma_start3A_43 = tpu.memref_slice %arg7[%mul3A_42, %dma_start3A] : memref<48x128xi32, #tpu.memory_space<vmem>> -> memref<1x128xi32, #tpu.memory_space<vmem>>
      %dma_start3A_44 = tpu.memref_squeeze %dma_start3A_43 : memref<1x128xi32, #tpu.memory_space<vmem>> -> memref<128xi32, #tpu.memory_space<vmem>>
      %dma_start3A_45 = arith.constant 0 : i32
      %dma_start3A_46 = arith.constant 0 : i32
      %dma_start3A_47 = tpu.memref_slice %arg2[%dma_start3A_45, %dma_start3A_46] : memref<10000x128xf32, #tpu.memory_space<hbm>> -> memref<10000x128xf32, #tpu.memory_space<hbm>>
      tpu.enqueue_indirect_dma source(%dma_start3A_47 : memref<10000x128xf32, #tpu.memory_space<hbm>>) target(%arg9 : memref<128x128xf32, #tpu.memory_space<vmem>>) offsets(%dma_start3A_44 : memref<128xi32, #tpu.memory_space<vmem>>) semaphore(%arg12 : memref<!tpu.dma_semaphore, #tpu.memory_space<semaphore_mem>>)
      %add3A_48 = arith.constant 1 : i32
      %add3A_49 = arith.addi %mul3A_42, %add3A_48 : i32
      %dma_start3A_50 = arith.constant 0 : i32
      %dma_start3A_51 = tpu.memref_slice %arg7[%add3A_49, %dma_start3A_50] : memref<48x128xi32, #tpu.memory_space<vmem>> -> memref<1x128xi32, #tpu.memory_space<vmem>>
      %dma_start3A_52 = tpu.memref_squeeze %dma_start3A_51 : memref<1x128xi32, #tpu.memory_space<vmem>> -> memref<128xi32, #tpu.memory_space<vmem>>
      %dma_start3A_53 = arith.constant 0 : i32
      %dma_start3A_54 = arith.constant 0 : i32
      %dma_start3A_55 = tpu.memref_slice %arg2[%dma_start3A_53, %dma_start3A_54] : memref<10000x128xf32, #tpu.memory_space<hbm>> -> memref<10000x128xf32, #tpu.memory_space<hbm>>
      tpu.enqueue_indirect_dma source(%dma_start3A_55 : memref<10000x128xf32, #tpu.memory_space<hbm>>) target(%arg10 : memref<128x128xf32, #tpu.memory_space<vmem>>) offsets(%dma_start3A_52 : memref<128xi32, #tpu.memory_space<vmem>>) semaphore(%arg13 : memref<!tpu.dma_semaphore, #tpu.memory_space<semaphore_mem>>)
      %dma_wait3A = arith.constant 0 : i32
      %dma_wait3A_56 = tpu.memref_slice %arg7[%mul3A_42, %dma_wait3A] : memref<48x128xi32, #tpu.memory_space<vmem>> -> memref<1x128xi32, #tpu.memory_space<vmem>>
      %dma_wait3A_57 = tpu.memref_squeeze %dma_wait3A_56 : memref<1x128xi32, #tpu.memory_space<vmem>> -> memref<128xi32, #tpu.memory_space<vmem>>
      %dma_wait3A_58 = arith.constant 0 : i32
      %dma_wait3A_59 = arith.constant 0 : i32
      %dma_wait3A_60 = tpu.memref_slice %arg2[%dma_wait3A_58, %dma_wait3A_59] : memref<10000x128xf32, #tpu.memory_space<hbm>> -> memref<10000x128xf32, #tpu.memory_space<hbm>>
      tpu.wait_indirect_dma semaphore(%arg12 : memref<!tpu.dma_semaphore, #tpu.memory_space<semaphore_mem>>) src(%dma_wait3A_60 : memref<10000x128xf32, #tpu.memory_space<hbm>>) dst(%arg9 : memref<128x128xf32, #tpu.memory_space<vmem>>)
      %dma_start3A_61 = arith.constant 0 : i32
      %dma_start3A_62 = tpu.memref_slice %arg8[%mul3A_42, %dma_start3A_61] : memref<48x128xi32, #tpu.memory_space<vmem>> -> memref<1x128xi32, #tpu.memory_space<vmem>>
      %dma_start3A_63 = tpu.memref_squeeze %dma_start3A_62 : memref<1x128xi32, #tpu.memory_space<vmem>> -> memref<128xi32, #tpu.memory_space<vmem>>
      %dma_start3A_64 = arith.constant 0 : i32
      %dma_start3A_65 = arith.constant 0 : i32
      %dma_start3A_66 = tpu.memref_slice %arg11[%dma_start3A_64, %dma_start3A_65] : memref<10240x128xf32, #tpu.memory_space<vmem_shared>> -> memref<10240x128xf32, #tpu.memory_space<vmem_shared>>
      tpu.enqueue_indirect_dma source(%arg9 : memref<128x128xf32, #tpu.memory_space<vmem>>) target(%dma_start3A_66 : memref<10240x128xf32, #tpu.memory_space<vmem_shared>>) offsets(%dma_start3A_63 : memref<128xi32, #tpu.memory_space<vmem>>) semaphore(%arg14 : memref<!tpu.dma_semaphore, #tpu.memory_space<semaphore_mem>>) {add = true}
      %dma_wait3A_67 = arith.constant 0 : i32
      %dma_wait3A_68 = tpu.memref_slice %arg7[%add3A_49, %dma_wait3A_67] : memref<48x128xi32, #tpu.memory_space<vmem>> -> memref<1x128xi32, #tpu.memory_space<vmem>>
      %dma_wait3A_69 = tpu.memref_squeeze %dma_wait3A_68 : memref<1x128xi32, #tpu.memory_space<vmem>> -> memref<128xi32, #tpu.memory_space<vmem>>
      %dma_wait3A_70 = arith.constant 0 : i32
      %dma_wait3A_71 = arith.constant 0 : i32
      %dma_wait3A_72 = tpu.memref_slice %arg2[%dma_wait3A_70, %dma_wait3A_71] : memref<10000x128xf32, #tpu.memory_space<hbm>> -> memref<10000x128xf32, #tpu.memory_space<hbm>>
      tpu.wait_indirect_dma semaphore(%arg13 : memref<!tpu.dma_semaphore, #tpu.memory_space<semaphore_mem>>) src(%dma_wait3A_72 : memref<10000x128xf32, #tpu.memory_space<hbm>>) dst(%arg10 : memref<128x128xf32, #tpu.memory_space<vmem>>)
      %add3A_73 = arith.constant 1 : i32
      %add3A_74 = arith.addi %mul3A_42, %add3A_73 : i32
      %dma_start3A_75 = arith.constant 0 : i32
      %dma_start3A_76 = tpu.memref_slice %arg8[%add3A_74, %dma_start3A_75] : memref<48x128xi32, #tpu.memory_space<vmem>> -> memref<1x128xi32, #tpu.memory_space<vmem>>
      %dma_start3A_77 = tpu.memref_squeeze %dma_start3A_76 : memref<1x128xi32, #tpu.memory_space<vmem>> -> memref<128xi32, #tpu.memory_space<vmem>>
      %dma_start3A_78 = arith.constant 0 : i32
      %dma_start3A_79 = arith.constant 0 : i32
      %dma_start3A_80 = tpu.memref_slice %arg11[%dma_start3A_78, %dma_start3A_79] : memref<10240x128xf32, #tpu.memory_space<vmem_shared>> -> memref<10240x128xf32, #tpu.memory_space<vmem_shared>>
      tpu.enqueue_indirect_dma source(%arg10 : memref<128x128xf32, #tpu.memory_space<vmem>>) target(%dma_start3A_80 : memref<10240x128xf32, #tpu.memory_space<vmem_shared>>) offsets(%dma_start3A_77 : memref<128xi32, #tpu.memory_space<vmem>>) semaphore(%arg15 : memref<!tpu.dma_semaphore, #tpu.memory_space<semaphore_mem>>) {add = true}
      %dma_wait3A_81 = arith.constant 0 : i32
      %dma_wait3A_82 = tpu.memref_slice %arg8[%mul3A_42, %dma_wait3A_81] : memref<48x128xi32, #tpu.memory_space<vmem>> -> memref<1x128xi32, #tpu.memory_space<vmem>>
      %dma_wait3A_83 = tpu.memref_squeeze %dma_wait3A_82 : memref<1x128xi32, #tpu.memory_space<vmem>> -> memref<128xi32, #tpu.memory_space<vmem>>
      %dma_wait3A_84 = arith.constant 0 : i32
      %dma_wait3A_85 = arith.constant 0 : i32
      %dma_wait3A_86 = tpu.memref_slice %arg11[%dma_wait3A_84, %dma_wait3A_85] : memref<10240x128xf32, #tpu.memory_space<vmem_shared>> -> memref<10240x128xf32, #tpu.memory_space<vmem_shared>>
      tpu.wait_indirect_dma semaphore(%arg14 : memref<!tpu.dma_semaphore, #tpu.memory_space<semaphore_mem>>) src(%arg9 : memref<128x128xf32, #tpu.memory_space<vmem>>) dst(%dma_wait3A_86 : memref<10240x128xf32, #tpu.memory_space<vmem_shared>>)
      %dma_wait3A_87 = arith.constant 0 : i32
      %dma_wait3A_88 = tpu.memref_slice %arg8[%add3A_74, %dma_wait3A_87] : memref<48x128xi32, #tpu.memory_space<vmem>> -> memref<1x128xi32, #tpu.memory_space<vmem>>
      %dma_wait3A_89 = tpu.memref_squeeze %dma_wait3A_88 : memref<1x128xi32, #tpu.memory_space<vmem>> -> memref<128xi32, #tpu.memory_space<vmem>>
      %dma_wait3A_90 = arith.constant 0 : i32
      %dma_wait3A_91 = arith.constant 0 : i32
      %dma_wait3A_92 = tpu.memref_slice %arg11[%dma_wait3A_90, %dma_wait3A_91] : memref<10240x128xf32, #tpu.memory_space<vmem_shared>> -> memref<10240x128xf32, #tpu.memory_space<vmem_shared>>
      tpu.wait_indirect_dma semaphore(%arg15 : memref<!tpu.dma_semaphore, #tpu.memory_space<semaphore_mem>>) src(%arg10 : memref<128x128xf32, #tpu.memory_space<vmem>>) dst(%dma_wait3A_92 : memref<10240x128xf32, #tpu.memory_space<vmem_shared>>)
    }
    %scan3A_27 = arith.constant 17 : i32
    %barrier3A_28 = arith.constant 0 : index
    tpu.barrier barrier_id(%barrier3A_28)
    %mul3A_29 = arith.constant 640 : i32
    %mul3A_30 = arith.muli %arg1, %mul3A_29 : i32
    %mul3A_31 = arith.constant 10240 : i32
    %mul3A_32 = arith.muli %arg0, %mul3A_31 : i32
    %mul3A_33 = arith.constant 640 : i32
    %mul3A_34 = arith.muli %arg1, %mul3A_33 : i32
    %add3A_35 = arith.addi %mul3A_32, %mul3A_34 : i32
    "tpu.region"() ({
      %run_scoped3A = tpu.sem_alloc : memref<!tpu.dma_semaphore, #tpu.memory_space<semaphore_mem>>
      %dma_start3A = arith.constant 0 : i32
      %dma_start3A_36 = tpu.memref_slice %arg6[%add3A_35, %dma_start3A] : memref<20480x128xf32, #tpu.memory_space<hbm>> -> memref<640x128xf32, #tpu.memory_space<hbm>>
      %dma_start3A_37 = arith.constant 0 : i32
      %dma_start3A_38 = tpu.memref_slice %arg11[%mul3A_30, %dma_start3A_37] : memref<10240x128xf32, #tpu.memory_space<vmem_shared>> -> memref<640x128xf32, #tpu.memory_space<vmem_shared>>
      tpu.enqueue_dma source(%dma_start3A_38 : memref<640x128xf32, #tpu.memory_space<vmem_shared>>) target(%dma_start3A_36 : memref<640x128xf32, #tpu.memory_space<hbm>>) target_semaphore(%run_scoped3A : memref<!tpu.dma_semaphore, #tpu.memory_space<semaphore_mem>>)
      %dma_wait3A = arith.constant 0 : i32
      %dma_wait3A_39 = tpu.memref_slice %arg6[%add3A_35, %dma_wait3A] : memref<20480x128xf32, #tpu.memory_space<hbm>> -> memref<640x128xf32, #tpu.memory_space<hbm>>
      %dma_wait3A_40 = arith.constant 0 : i32
      %dma_wait3A_41 = tpu.memref_slice %arg11[%mul3A_30, %dma_wait3A_40] : memref<10240x128xf32, #tpu.memory_space<vmem_shared>> -> memref<640x128xf32, #tpu.memory_space<vmem_shared>>
      tpu.wait_dma2 semaphore(%run_scoped3A : memref<!tpu.dma_semaphore, #tpu.memory_space<semaphore_mem>>) src(%dma_wait3A_41 : memref<640x128xf32, #tpu.memory_space<vmem_shared>>) dst(%dma_wait3A_39 : memref<640x128xf32, #tpu.memory_space<hbm>>)
      tpu.yield
    }) : () -> ()
    return
  }
}

#map = affine_map<(d0, d1) -> (0, 0)>
#map1 = affine_map<(d0, d1) -> (0)>
module attributes {stable_mosaic.version = 14 : i64} {
  func.func @_deg_call(%arg0: i32, %arg1: i32, %arg2: memref<2816x128xi32, #tpu.memory_space<hbm>>, %arg3: memref<640xf32, #tpu.memory_space<hbm>>, %arg4: memref<20480xf32, #tpu.memory_space<hbm>>, %arg5: memref<88x128xi32, #tpu.memory_space<vmem>>, %arg6: memref<128xf32, #tpu.memory_space<vmem>>, %arg7: memref<10240xf32, #tpu.memory_space<vmem_shared>>) attributes {dimension_semantics = [#tpu.dimension_semantics<core_parallel>, #tpu.dimension_semantics<subcore_parallel>], iteration_bounds = array<i64: 2, 16>, scalar_prefetch = 0 : i64, scratch_operands = 3 : i64, tpu.core_type = #tpu.core_type<sc_vector_subcore>, window_params = [{transform_indices = #map}, {transform_indices = #map1}, {transform_indices = #map1}]} {
    %mul3A = arith.constant 2 : i32
    %mul3A_0 = arith.muli %arg1, %mul3A : i32
    %add3A = arith.addi %mul3A_0, %arg0 : i32
    %mul3A_1 = arith.constant 640 : i32
    %mul3A_2 = arith.muli %arg1, %mul3A_1 : i32
    "tpu.region"() ({
      %run_scoped3A = tpu.sem_alloc : memref<!tpu.dma_semaphore, #tpu.memory_space<semaphore_mem>>
      %dma_start3A = tpu.memref_slice %arg7[%mul3A_2] : memref<10240xf32, #tpu.memory_space<vmem_shared>> -> memref<640xf32, #tpu.memory_space<vmem_shared>>
      tpu.enqueue_dma source(%arg3 : memref<640xf32, #tpu.memory_space<hbm>>) target(%dma_start3A : memref<640xf32, #tpu.memory_space<vmem_shared>>) target_semaphore(%run_scoped3A : memref<!tpu.dma_semaphore, #tpu.memory_space<semaphore_mem>>)
      %dma_wait3A = tpu.memref_slice %arg7[%mul3A_2] : memref<10240xf32, #tpu.memory_space<vmem_shared>> -> memref<640xf32, #tpu.memory_space<vmem_shared>>
      tpu.wait_dma2 semaphore(%run_scoped3A : memref<!tpu.dma_semaphore, #tpu.memory_space<semaphore_mem>>) src(%arg3 : memref<640xf32, #tpu.memory_space<hbm>>) dst(%dma_wait3A : memref<640xf32, #tpu.memory_space<vmem_shared>>)
      tpu.yield
    }) : () -> ()
    %mul3A_3 = arith.constant 88 : i32
    %mul3A_4 = arith.muli %add3A, %mul3A_3 : i32
    "tpu.region"() ({
      %run_scoped3A = tpu.sem_alloc : memref<!tpu.dma_semaphore, #tpu.memory_space<semaphore_mem>>
      %dma_start3A = arith.constant 0 : i32
      %dma_start3A_49 = tpu.memref_slice %arg2[%mul3A_4, %dma_start3A] : memref<2816x128xi32, #tpu.memory_space<hbm>> -> memref<88x128xi32, #tpu.memory_space<hbm>>
      %dma_start3A_50 = arith.constant 0 : i32
      %dma_start3A_51 = tpu.memref_slice %arg2[%mul3A_4, %dma_start3A_50] : memref<2816x128xi32, #tpu.memory_space<hbm>> -> memref<88x128xi32, #tpu.memory_space<hbm>>
      tpu.enqueue_dma source(%dma_start3A_51 : memref<88x128xi32, #tpu.memory_space<hbm>>) target(%arg5 : memref<88x128xi32, #tpu.memory_space<vmem>>) target_semaphore(%run_scoped3A : memref<!tpu.dma_semaphore, #tpu.memory_space<semaphore_mem>>)
      %dma_wait3A = arith.constant 0 : i32
      %dma_wait3A_52 = tpu.memref_slice %arg2[%mul3A_4, %dma_wait3A] : memref<2816x128xi32, #tpu.memory_space<hbm>> -> memref<88x128xi32, #tpu.memory_space<hbm>>
      %dma_wait3A_53 = arith.constant 0 : i32
      %dma_wait3A_54 = tpu.memref_slice %arg2[%mul3A_4, %dma_wait3A_53] : memref<2816x128xi32, #tpu.memory_space<hbm>> -> memref<88x128xi32, #tpu.memory_space<hbm>>
      tpu.wait_dma2 semaphore(%run_scoped3A : memref<!tpu.dma_semaphore, #tpu.memory_space<semaphore_mem>>) src(%dma_wait3A_54 : memref<88x128xi32, #tpu.memory_space<hbm>>) dst(%arg5 : memref<88x128xi32, #tpu.memory_space<vmem>>)
      tpu.yield
    }) : () -> ()
    %broadcast_in_dim3A = arith.constant 1.000000e+00 : f32
    %broadcast_in_dim3A_5 = vector.broadcast %broadcast_in_dim3A : f32 to vector<16xf32>
    %swap3A = arith.constant 0 : index
    %swap3A_6 = tpu.vector_load %arg6[%swap3A] {strides = array<i32>} : memref<128xf32, #tpu.memory_space<vmem>>, vector<16xf32>,
    %swap3A_7 = vector.shape_cast %swap3A_6 : vector<16xf32> to vector<16xf32>
    %swap3A_8 = vector.shape_cast %broadcast_in_dim3A_5 : vector<16xf32> to vector<16xf32>
    tpu.vector_store %arg6[%swap3A], %swap3A_8 {strides = array<i32>} : memref<128xf32, #tpu.memory_space<vmem>>, vector<16xf32>,
    %swap3A_9 = arith.constant 16 : index
    %swap3A_10 = tpu.vector_load %arg6[%swap3A_9] {strides = array<i32>} : memref<128xf32, #tpu.memory_space<vmem>>, vector<16xf32>,
    %swap3A_11 = vector.shape_cast %swap3A_10 : vector<16xf32> to vector<16xf32>
    %swap3A_12 = vector.shape_cast %broadcast_in_dim3A_5 : vector<16xf32> to vector<16xf32>
    tpu.vector_store %arg6[%swap3A_9], %swap3A_12 {strides = array<i32>} : memref<128xf32, #tpu.memory_space<vmem>>, vector<16xf32>,
    %swap3A_13 = arith.constant 32 : index
    %swap3A_14 = tpu.vector_load %arg6[%swap3A_13] {strides = array<i32>} : memref<128xf32, #tpu.memory_space<vmem>>, vector<16xf32>,
    %swap3A_15 = vector.shape_cast %swap3A_14 : vector<16xf32> to vector<16xf32>
    %swap3A_16 = vector.shape_cast %broadcast_in_dim3A_5 : vector<16xf32> to vector<16xf32>
    tpu.vector_store %arg6[%swap3A_13], %swap3A_16 {strides = array<i32>} : memref<128xf32, #tpu.memory_space<vmem>>, vector<16xf32>,
    %swap3A_17 = arith.constant 48 : index
    %swap3A_18 = tpu.vector_load %arg6[%swap3A_17] {strides = array<i32>} : memref<128xf32, #tpu.memory_space<vmem>>, vector<16xf32>,
    %swap3A_19 = vector.shape_cast %swap3A_18 : vector<16xf32> to vector<16xf32>
    %swap3A_20 = vector.shape_cast %broadcast_in_dim3A_5 : vector<16xf32> to vector<16xf32>
    tpu.vector_store %arg6[%swap3A_17], %swap3A_20 {strides = array<i32>} : memref<128xf32, #tpu.memory_space<vmem>>, vector<16xf32>,
    %swap3A_21 = arith.constant 64 : index
    %swap3A_22 = tpu.vector_load %arg6[%swap3A_21] {strides = array<i32>} : memref<128xf32, #tpu.memory_space<vmem>>, vector<16xf32>,
    %swap3A_23 = vector.shape_cast %swap3A_22 : vector<16xf32> to vector<16xf32>
    %swap3A_24 = vector.shape_cast %broadcast_in_dim3A_5 : vector<16xf32> to vector<16xf32>
    tpu.vector_store %arg6[%swap3A_21], %swap3A_24 {strides = array<i32>} : memref<128xf32, #tpu.memory_space<vmem>>, vector<16xf32>,
    %swap3A_25 = arith.constant 80 : index
    %swap3A_26 = tpu.vector_load %arg6[%swap3A_25] {strides = array<i32>} : memref<128xf32, #tpu.memory_space<vmem>>, vector<16xf32>,
    %swap3A_27 = vector.shape_cast %swap3A_26 : vector<16xf32> to vector<16xf32>
    %swap3A_28 = vector.shape_cast %broadcast_in_dim3A_5 : vector<16xf32> to vector<16xf32>
    tpu.vector_store %arg6[%swap3A_25], %swap3A_28 {strides = array<i32>} : memref<128xf32, #tpu.memory_space<vmem>>, vector<16xf32>,
    %swap3A_29 = arith.constant 96 : index
    %swap3A_30 = tpu.vector_load %arg6[%swap3A_29] {strides = array<i32>} : memref<128xf32, #tpu.memory_space<vmem>>, vector<16xf32>,
    %swap3A_31 = vector.shape_cast %swap3A_30 : vector<16xf32> to vector<16xf32>
    %swap3A_32 = vector.shape_cast %broadcast_in_dim3A_5 : vector<16xf32> to vector<16xf32>
    tpu.vector_store %arg6[%swap3A_29], %swap3A_32 {strides = array<i32>} : memref<128xf32, #tpu.memory_space<vmem>>, vector<16xf32>,
    %swap3A_33 = arith.constant 112 : index
    %swap3A_34 = tpu.vector_load %arg6[%swap3A_33] {strides = array<i32>} : memref<128xf32, #tpu.memory_space<vmem>>, vector<16xf32>,
    %swap3A_35 = vector.shape_cast %swap3A_34 : vector<16xf32> to vector<16xf32>
    %swap3A_36 = vector.shape_cast %broadcast_in_dim3A_5 : vector<16xf32> to vector<16xf32>
    tpu.vector_store %arg6[%swap3A_33], %swap3A_36 {strides = array<i32>} : memref<128xf32, #tpu.memory_space<vmem>>, vector<16xf32>,
    %barrier3A = arith.constant 0 : index
    tpu.barrier barrier_id(%barrier3A)
    %scan3A = arith.constant 0 : i32
    %scan3A_37 = arith.constant 81 : i32
    %scan3A_38 = arith.addi %scan3A, %scan3A_37 : i32
    %scan3A_39 = arith.constant 1 : i32
    scf.for %scan3A_49 = %scan3A to %scan3A_38 step %scan3A_39  : i32 {
      %mul3A_50 = arith.constant 1 : i32
      %mul3A_51 = arith.muli %scan3A_49, %mul3A_50 : i32
      %add3A_52 = arith.constant 0 : i32
      %add3A_53 = arith.addi %add3A_52, %mul3A_51 : i32
      "tpu.region"() ({
        %run_scoped3A = tpu.sem_alloc : memref<!tpu.dma_semaphore, #tpu.memory_space<semaphore_mem>>
        %dma_start3A = arith.constant 0 : i32
        %dma_start3A_54 = tpu.memref_slice %arg5[%add3A_53, %dma_start3A] : memref<88x128xi32, #tpu.memory_space<vmem>> -> memref<1x128xi32, #tpu.memory_space<vmem>>
        %dma_start3A_55 = tpu.memref_squeeze %dma_start3A_54 : memref<1x128xi32, #tpu.memory_space<vmem>> -> memref<128xi32, #tpu.memory_space<vmem>>
        %dma_start3A_56 = arith.constant 0 : i32
        %dma_start3A_57 = tpu.memref_slice %arg7[%dma_start3A_56] : memref<10240xf32, #tpu.memory_space<vmem_shared>> -> memref<10240xf32, #tpu.memory_space<vmem_shared>>
        tpu.enqueue_indirect_dma source(%arg6 : memref<128xf32, #tpu.memory_space<vmem>>) target(%dma_start3A_57 : memref<10240xf32, #tpu.memory_space<vmem_shared>>) offsets(%dma_start3A_55 : memref<128xi32, #tpu.memory_space<vmem>>) semaphore(%run_scoped3A : memref<!tpu.dma_semaphore, #tpu.memory_space<semaphore_mem>>) {add = true}
        %dma_wait3A = arith.constant 0 : i32
        %dma_wait3A_58 = tpu.memref_slice %arg5[%add3A_53, %dma_wait3A] : memref<88x128xi32, #tpu.memory_space<vmem>> -> memref<1x128xi32, #tpu.memory_space<vmem>>
        %dma_wait3A_59 = tpu.memref_squeeze %dma_wait3A_58 : memref<1x128xi32, #tpu.memory_space<vmem>> -> memref<128xi32, #tpu.memory_space<vmem>>
        %dma_wait3A_60 = arith.constant 0 : i32
        %dma_wait3A_61 = tpu.memref_slice %arg7[%dma_wait3A_60] : memref<10240xf32, #tpu.memory_space<vmem_shared>> -> memref<10240xf32, #tpu.memory_space<vmem_shared>>
        tpu.wait_indirect_dma semaphore(%run_scoped3A : memref<!tpu.dma_semaphore, #tpu.memory_space<semaphore_mem>>) src(%arg6 : memref<128xf32, #tpu.memory_space<vmem>>) dst(%dma_wait3A_61 : memref<10240xf32, #tpu.memory_space<vmem_shared>>)
        tpu.yield
      }) : () -> ()
    }
    %scan3A_40 = arith.constant 81 : i32
    %barrier3A_41 = arith.constant 0 : index
    tpu.barrier barrier_id(%barrier3A_41)
    %mul3A_42 = arith.constant 640 : i32
    %mul3A_43 = arith.muli %arg1, %mul3A_42 : i32
    %mul3A_44 = arith.constant 10240 : i32
    %mul3A_45 = arith.muli %arg0, %mul3A_44 : i32
    %mul3A_46 = arith.constant 640 : i32
    %mul3A_47 = arith.muli %arg1, %mul3A_46 : i32
    %add3A_48 = arith.addi %mul3A_45, %mul3A_47 : i32
    "tpu.region"() ({
      %run_scoped3A = tpu.sem_alloc : memref<!tpu.dma_semaphore, #tpu.memory_space<semaphore_mem>>
      %dma_start3A = tpu.memref_slice %arg4[%add3A_48] : memref<20480xf32, #tpu.memory_space<hbm>> -> memref<640xf32, #tpu.memory_space<hbm>>
      %dma_start3A_49 = tpu.memref_slice %arg7[%mul3A_43] : memref<10240xf32, #tpu.memory_space<vmem_shared>> -> memref<640xf32, #tpu.memory_space<vmem_shared>>
      tpu.enqueue_dma source(%dma_start3A_49 : memref<640xf32, #tpu.memory_space<vmem_shared>>) target(%dma_start3A : memref<640xf32, #tpu.memory_space<hbm>>) target_semaphore(%run_scoped3A : memref<!tpu.dma_semaphore, #tpu.memory_space<semaphore_mem>>)
      %dma_wait3A = tpu.memref_slice %arg4[%add3A_48] : memref<20480xf32, #tpu.memory_space<hbm>> -> memref<640xf32, #tpu.memory_space<hbm>>
      %dma_wait3A_50 = tpu.memref_slice %arg7[%mul3A_43] : memref<10240xf32, #tpu.memory_space<vmem_shared>> -> memref<640xf32, #tpu.memory_space<vmem_shared>>
      tpu.wait_dma2 semaphore(%run_scoped3A : memref<!tpu.dma_semaphore, #tpu.memory_space<semaphore_mem>>) src(%dma_wait3A_50 : memref<640xf32, #tpu.memory_space<vmem_shared>>) dst(%dma_wait3A : memref<640xf32, #tpu.memory_space<hbm>>)
      tpu.yield
    }) : () -> ()
    return
  }
}

#map = affine_map<(d0, d1) -> (0, 0)>
module attributes {stable_mosaic.version = 14 : i64} {
  func.func @_agg_call(%arg0: i32, %arg1: i32, %arg2: memref<10000x128xf32, #tpu.memory_space<hbm>>, %arg3: memref<2816x128xi32, #tpu.memory_space<hbm>>, %arg4: memref<2816x128xi32, #tpu.memory_space<hbm>>, %arg5: memref<640x128xf32, #tpu.memory_space<hbm>>, %arg6: memref<20480x128xf32, #tpu.memory_space<hbm>>, %arg7: memref<48x128xi32, #tpu.memory_space<vmem>>, %arg8: memref<48x128xi32, #tpu.memory_space<vmem>>, %arg9: memref<128x128xf32, #tpu.memory_space<vmem>>, %arg10: memref<128x128xf32, #tpu.memory_space<vmem>>, %arg11: memref<10240x128xf32, #tpu.memory_space<vmem_shared>>, %arg12: memref<!tpu.dma_semaphore, #tpu.memory_space<semaphore_mem>>, %arg13: memref<!tpu.dma_semaphore, #tpu.memory_space<semaphore_mem>>, %arg14: memref<!tpu.dma_semaphore, #tpu.memory_space<semaphore_mem>>, %arg15: memref<!tpu.dma_semaphore, #tpu.memory_space<semaphore_mem>>) attributes {dimension_semantics = [#tpu.dimension_semantics<core_parallel>, #tpu.dimension_semantics<subcore_parallel>], iteration_bounds = array<i64: 2, 16>, scalar_prefetch = 0 : i64, scratch_operands = 9 : i64, tpu.core_type = #tpu.core_type<sc_vector_subcore>, window_params = [{transform_indices = #map}, {transform_indices = #map}, {transform_indices = #map}, {transform_indices = #map}, {transform_indices = #map}]} {
    %mul3A = arith.constant 2 : i32
    %mul3A_0 = arith.muli %arg1, %mul3A : i32
    %add3A = arith.addi %mul3A_0, %arg0 : i32
    %mul3A_1 = arith.constant 640 : i32
    %mul3A_2 = arith.muli %arg1, %mul3A_1 : i32
    "tpu.region"() ({
      %run_scoped3A = tpu.sem_alloc : memref<!tpu.dma_semaphore, #tpu.memory_space<semaphore_mem>>
      %dma_start3A = arith.constant 0 : i32
      %dma_start3A_36 = tpu.memref_slice %arg11[%mul3A_2, %dma_start3A] : memref<10240x128xf32, #tpu.memory_space<vmem_shared>> -> memref<640x128xf32, #tpu.memory_space<vmem_shared>>
      tpu.enqueue_dma source(%arg5 : memref<640x128xf32, #tpu.memory_space<hbm>>) target(%dma_start3A_36 : memref<640x128xf32, #tpu.memory_space<vmem_shared>>) target_semaphore(%run_scoped3A : memref<!tpu.dma_semaphore, #tpu.memory_space<semaphore_mem>>)
      %dma_wait3A = arith.constant 0 : i32
      %dma_wait3A_37 = tpu.memref_slice %arg11[%mul3A_2, %dma_wait3A] : memref<10240x128xf32, #tpu.memory_space<vmem_shared>> -> memref<640x128xf32, #tpu.memory_space<vmem_shared>>
      tpu.wait_dma2 semaphore(%run_scoped3A : memref<!tpu.dma_semaphore, #tpu.memory_space<semaphore_mem>>) src(%arg5 : memref<640x128xf32, #tpu.memory_space<hbm>>) dst(%dma_wait3A_37 : memref<640x128xf32, #tpu.memory_space<vmem_shared>>)
      tpu.yield
    }) : () -> ()
    %barrier3A = arith.constant 0 : index
    tpu.barrier barrier_id(%barrier3A)
    %mul3A_3 = arith.constant 88 : i32
    %mul3A_4 = arith.muli %add3A, %mul3A_3 : i32
    %add3A_5 = arith.constant 0 : i32
    %add3A_6 = arith.addi %mul3A_4, %add3A_5 : i32
    "tpu.region"() ({
      %run_scoped3A = tpu.sem_alloc : memref<!tpu.dma_semaphore, #tpu.memory_space<semaphore_mem>>
      %dma_start3A = arith.constant 0 : i32
      %dma_start3A_36 = arith.constant 0 : i32
      %dma_start3A_37 = tpu.memref_slice %arg7[%dma_start3A, %dma_start3A_36] : memref<48x128xi32, #tpu.memory_space<vmem>> -> memref<48x128xi32, #tpu.memory_space<vmem>>
      %dma_start3A_38 = arith.constant 0 : i32
      %dma_start3A_39 = tpu.memref_slice %arg3[%add3A_6, %dma_start3A_38] : memref<2816x128xi32, #tpu.memory_space<hbm>> -> memref<48x128xi32, #tpu.memory_space<hbm>>
      %dma_start3A_40 = arith.constant 0 : i32
      %dma_start3A_41 = arith.constant 0 : i32
      %dma_start3A_42 = tpu.memref_slice %arg7[%dma_start3A_40, %dma_start3A_41] : memref<48x128xi32, #tpu.memory_space<vmem>> -> memref<48x128xi32, #tpu.memory_space<vmem>>
      %dma_start3A_43 = arith.constant 0 : i32
      %dma_start3A_44 = tpu.memref_slice %arg3[%add3A_6, %dma_start3A_43] : memref<2816x128xi32, #tpu.memory_space<hbm>> -> memref<48x128xi32, #tpu.memory_space<hbm>>
      tpu.enqueue_dma source(%dma_start3A_44 : memref<48x128xi32, #tpu.memory_space<hbm>>) target(%dma_start3A_42 : memref<48x128xi32, #tpu.memory_space<vmem>>) target_semaphore(%run_scoped3A : memref<!tpu.dma_semaphore, #tpu.memory_space<semaphore_mem>>)
      %dma_wait3A = arith.constant 0 : i32
      %dma_wait3A_45 = arith.constant 0 : i32
      %dma_wait3A_46 = tpu.memref_slice %arg7[%dma_wait3A, %dma_wait3A_45] : memref<48x128xi32, #tpu.memory_space<vmem>> -> memref<48x128xi32, #tpu.memory_space<vmem>>
      %dma_wait3A_47 = arith.constant 0 : i32
      %dma_wait3A_48 = tpu.memref_slice %arg3[%add3A_6, %dma_wait3A_47] : memref<2816x128xi32, #tpu.memory_space<hbm>> -> memref<48x128xi32, #tpu.memory_space<hbm>>
      %dma_wait3A_49 = arith.constant 0 : i32
      %dma_wait3A_50 = arith.constant 0 : i32
      %dma_wait3A_51 = tpu.memref_slice %arg7[%dma_wait3A_49, %dma_wait3A_50] : memref<48x128xi32, #tpu.memory_space<vmem>> -> memref<48x128xi32, #tpu.memory_space<vmem>>
      %dma_wait3A_52 = arith.constant 0 : i32
      %dma_wait3A_53 = tpu.memref_slice %arg3[%add3A_6, %dma_wait3A_52] : memref<2816x128xi32, #tpu.memory_space<hbm>> -> memref<48x128xi32, #tpu.memory_space<hbm>>
      tpu.wait_dma2 semaphore(%run_scoped3A : memref<!tpu.dma_semaphore, #tpu.memory_space<semaphore_mem>>) src(%dma_wait3A_53 : memref<48x128xi32, #tpu.memory_space<hbm>>) dst(%dma_wait3A_51 : memref<48x128xi32, #tpu.memory_space<vmem>>)
      tpu.yield
    }) : () -> ()
    %mul3A_7 = arith.constant 88 : i32
    %mul3A_8 = arith.muli %add3A, %mul3A_7 : i32
    %add3A_9 = arith.constant 0 : i32
    %add3A_10 = arith.addi %mul3A_8, %add3A_9 : i32
    "tpu.region"() ({
      %run_scoped3A = tpu.sem_alloc : memref<!tpu.dma_semaphore, #tpu.memory_space<semaphore_mem>>
      %dma_start3A = arith.constant 0 : i32
      %dma_start3A_36 = arith.constant 0 : i32
      %dma_start3A_37 = tpu.memref_slice %arg8[%dma_start3A, %dma_start3A_36] : memref<48x128xi32, #tpu.memory_space<vmem>> -> memref<48x128xi32, #tpu.memory_space<vmem>>
      %dma_start3A_38 = arith.constant 0 : i32
      %dma_start3A_39 = tpu.memref_slice %arg4[%add3A_10, %dma_start3A_38] : memref<2816x128xi32, #tpu.memory_space<hbm>> -> memref<48x128xi32, #tpu.memory_space<hbm>>
      %dma_start3A_40 = arith.constant 0 : i32
      %dma_start3A_41 = arith.constant 0 : i32
      %dma_start3A_42 = tpu.memref_slice %arg8[%dma_start3A_40, %dma_start3A_41] : memref<48x128xi32, #tpu.memory_space<vmem>> -> memref<48x128xi32, #tpu.memory_space<vmem>>
      %dma_start3A_43 = arith.constant 0 : i32
      %dma_start3A_44 = tpu.memref_slice %arg4[%add3A_10, %dma_start3A_43] : memref<2816x128xi32, #tpu.memory_space<hbm>> -> memref<48x128xi32, #tpu.memory_space<hbm>>
      tpu.enqueue_dma source(%dma_start3A_44 : memref<48x128xi32, #tpu.memory_space<hbm>>) target(%dma_start3A_42 : memref<48x128xi32, #tpu.memory_space<vmem>>) target_semaphore(%run_scoped3A : memref<!tpu.dma_semaphore, #tpu.memory_space<semaphore_mem>>)
      %dma_wait3A = arith.constant 0 : i32
      %dma_wait3A_45 = arith.constant 0 : i32
      %dma_wait3A_46 = tpu.memref_slice %arg8[%dma_wait3A, %dma_wait3A_45] : memref<48x128xi32, #tpu.memory_space<vmem>> -> memref<48x128xi32, #tpu.memory_space<vmem>>
      %dma_wait3A_47 = arith.constant 0 : i32
      %dma_wait3A_48 = tpu.memref_slice %arg4[%add3A_10, %dma_wait3A_47] : memref<2816x128xi32, #tpu.memory_space<hbm>> -> memref<48x128xi32, #tpu.memory_space<hbm>>
      %dma_wait3A_49 = arith.constant 0 : i32
      %dma_wait3A_50 = arith.constant 0 : i32
      %dma_wait3A_51 = tpu.memref_slice %arg8[%dma_wait3A_49, %dma_wait3A_50] : memref<48x128xi32, #tpu.memory_space<vmem>> -> memref<48x128xi32, #tpu.memory_space<vmem>>
      %dma_wait3A_52 = arith.constant 0 : i32
      %dma_wait3A_53 = tpu.memref_slice %arg4[%add3A_10, %dma_wait3A_52] : memref<2816x128xi32, #tpu.memory_space<hbm>> -> memref<48x128xi32, #tpu.memory_space<hbm>>
      tpu.wait_dma2 semaphore(%run_scoped3A : memref<!tpu.dma_semaphore, #tpu.memory_space<semaphore_mem>>) src(%dma_wait3A_53 : memref<48x128xi32, #tpu.memory_space<hbm>>) dst(%dma_wait3A_51 : memref<48x128xi32, #tpu.memory_space<vmem>>)
      tpu.yield
    }) : () -> ()
    %scan3A = arith.constant 0 : i32
    %scan3A_11 = arith.constant 24 : i32
    %scan3A_12 = arith.addi %scan3A, %scan3A_11 : i32
    %scan3A_13 = arith.constant 1 : i32
    scf.for %scan3A_36 = %scan3A to %scan3A_12 step %scan3A_13  : i32 {
      %mul3A_37 = arith.constant 1 : i32
      %mul3A_38 = arith.muli %scan3A_36, %mul3A_37 : i32
      %add3A_39 = arith.constant 0 : i32
      %add3A_40 = arith.addi %add3A_39, %mul3A_38 : i32
      %mul3A_41 = arith.constant 2 : i32
      %mul3A_42 = arith.muli %add3A_40, %mul3A_41 : i32
      %dma_start3A = arith.constant 0 : i32
      %dma_start3A_43 = tpu.memref_slice %arg7[%mul3A_42, %dma_start3A] : memref<48x128xi32, #tpu.memory_space<vmem>> -> memref<1x128xi32, #tpu.memory_space<vmem>>
      %dma_start3A_44 = tpu.memref_squeeze %dma_start3A_43 : memref<1x128xi32, #tpu.memory_space<vmem>> -> memref<128xi32, #tpu.memory_space<vmem>>
      %dma_start3A_45 = arith.constant 0 : i32
      %dma_start3A_46 = arith.constant 0 : i32
      %dma_start3A_47 = tpu.memref_slice %arg2[%dma_start3A_45, %dma_start3A_46] : memref<10000x128xf32, #tpu.memory_space<hbm>> -> memref<10000x128xf32, #tpu.memory_space<hbm>>
      tpu.enqueue_indirect_dma source(%dma_start3A_47 : memref<10000x128xf32, #tpu.memory_space<hbm>>) target(%arg9 : memref<128x128xf32, #tpu.memory_space<vmem>>) offsets(%dma_start3A_44 : memref<128xi32, #tpu.memory_space<vmem>>) semaphore(%arg12 : memref<!tpu.dma_semaphore, #tpu.memory_space<semaphore_mem>>)
      %add3A_48 = arith.constant 1 : i32
      %add3A_49 = arith.addi %mul3A_42, %add3A_48 : i32
      %dma_start3A_50 = arith.constant 0 : i32
      %dma_start3A_51 = tpu.memref_slice %arg7[%add3A_49, %dma_start3A_50] : memref<48x128xi32, #tpu.memory_space<vmem>> -> memref<1x128xi32, #tpu.memory_space<vmem>>
      %dma_start3A_52 = tpu.memref_squeeze %dma_start3A_51 : memref<1x128xi32, #tpu.memory_space<vmem>> -> memref<128xi32, #tpu.memory_space<vmem>>
      %dma_start3A_53 = arith.constant 0 : i32
      %dma_start3A_54 = arith.constant 0 : i32
      %dma_start3A_55 = tpu.memref_slice %arg2[%dma_start3A_53, %dma_start3A_54] : memref<10000x128xf32, #tpu.memory_space<hbm>> -> memref<10000x128xf32, #tpu.memory_space<hbm>>
      tpu.enqueue_indirect_dma source(%dma_start3A_55 : memref<10000x128xf32, #tpu.memory_space<hbm>>) target(%arg10 : memref<128x128xf32, #tpu.memory_space<vmem>>) offsets(%dma_start3A_52 : memref<128xi32, #tpu.memory_space<vmem>>) semaphore(%arg13 : memref<!tpu.dma_semaphore, #tpu.memory_space<semaphore_mem>>)
      %dma_wait3A = arith.constant 0 : i32
      %dma_wait3A_56 = tpu.memref_slice %arg7[%mul3A_42, %dma_wait3A] : memref<48x128xi32, #tpu.memory_space<vmem>> -> memref<1x128xi32, #tpu.memory_space<vmem>>
      %dma_wait3A_57 = tpu.memref_squeeze %dma_wait3A_56 : memref<1x128xi32, #tpu.memory_space<vmem>> -> memref<128xi32, #tpu.memory_space<vmem>>
      %dma_wait3A_58 = arith.constant 0 : i32
      %dma_wait3A_59 = arith.constant 0 : i32
      %dma_wait3A_60 = tpu.memref_slice %arg2[%dma_wait3A_58, %dma_wait3A_59] : memref<10000x128xf32, #tpu.memory_space<hbm>> -> memref<10000x128xf32, #tpu.memory_space<hbm>>
      tpu.wait_indirect_dma semaphore(%arg12 : memref<!tpu.dma_semaphore, #tpu.memory_space<semaphore_mem>>) src(%dma_wait3A_60 : memref<10000x128xf32, #tpu.memory_space<hbm>>) dst(%arg9 : memref<128x128xf32, #tpu.memory_space<vmem>>)
      %dma_start3A_61 = arith.constant 0 : i32
      %dma_start3A_62 = tpu.memref_slice %arg8[%mul3A_42, %dma_start3A_61] : memref<48x128xi32, #tpu.memory_space<vmem>> -> memref<1x128xi32, #tpu.memory_space<vmem>>
      %dma_start3A_63 = tpu.memref_squeeze %dma_start3A_62 : memref<1x128xi32, #tpu.memory_space<vmem>> -> memref<128xi32, #tpu.memory_space<vmem>>
      %dma_start3A_64 = arith.constant 0 : i32
      %dma_start3A_65 = arith.constant 0 : i32
      %dma_start3A_66 = tpu.memref_slice %arg11[%dma_start3A_64, %dma_start3A_65] : memref<10240x128xf32, #tpu.memory_space<vmem_shared>> -> memref<10240x128xf32, #tpu.memory_space<vmem_shared>>
      tpu.enqueue_indirect_dma source(%arg9 : memref<128x128xf32, #tpu.memory_space<vmem>>) target(%dma_start3A_66 : memref<10240x128xf32, #tpu.memory_space<vmem_shared>>) offsets(%dma_start3A_63 : memref<128xi32, #tpu.memory_space<vmem>>) semaphore(%arg14 : memref<!tpu.dma_semaphore, #tpu.memory_space<semaphore_mem>>) {add = true}
      %dma_wait3A_67 = arith.constant 0 : i32
      %dma_wait3A_68 = tpu.memref_slice %arg7[%add3A_49, %dma_wait3A_67] : memref<48x128xi32, #tpu.memory_space<vmem>> -> memref<1x128xi32, #tpu.memory_space<vmem>>
      %dma_wait3A_69 = tpu.memref_squeeze %dma_wait3A_68 : memref<1x128xi32, #tpu.memory_space<vmem>> -> memref<128xi32, #tpu.memory_space<vmem>>
      %dma_wait3A_70 = arith.constant 0 : i32
      %dma_wait3A_71 = arith.constant 0 : i32
      %dma_wait3A_72 = tpu.memref_slice %arg2[%dma_wait3A_70, %dma_wait3A_71] : memref<10000x128xf32, #tpu.memory_space<hbm>> -> memref<10000x128xf32, #tpu.memory_space<hbm>>
      tpu.wait_indirect_dma semaphore(%arg13 : memref<!tpu.dma_semaphore, #tpu.memory_space<semaphore_mem>>) src(%dma_wait3A_72 : memref<10000x128xf32, #tpu.memory_space<hbm>>) dst(%arg10 : memref<128x128xf32, #tpu.memory_space<vmem>>)
      %add3A_73 = arith.constant 1 : i32
      %add3A_74 = arith.addi %mul3A_42, %add3A_73 : i32
      %dma_start3A_75 = arith.constant 0 : i32
      %dma_start3A_76 = tpu.memref_slice %arg8[%add3A_74, %dma_start3A_75] : memref<48x128xi32, #tpu.memory_space<vmem>> -> memref<1x128xi32, #tpu.memory_space<vmem>>
      %dma_start3A_77 = tpu.memref_squeeze %dma_start3A_76 : memref<1x128xi32, #tpu.memory_space<vmem>> -> memref<128xi32, #tpu.memory_space<vmem>>
      %dma_start3A_78 = arith.constant 0 : i32
      %dma_start3A_79 = arith.constant 0 : i32
      %dma_start3A_80 = tpu.memref_slice %arg11[%dma_start3A_78, %dma_start3A_79] : memref<10240x128xf32, #tpu.memory_space<vmem_shared>> -> memref<10240x128xf32, #tpu.memory_space<vmem_shared>>
      tpu.enqueue_indirect_dma source(%arg10 : memref<128x128xf32, #tpu.memory_space<vmem>>) target(%dma_start3A_80 : memref<10240x128xf32, #tpu.memory_space<vmem_shared>>) offsets(%dma_start3A_77 : memref<128xi32, #tpu.memory_space<vmem>>) semaphore(%arg15 : memref<!tpu.dma_semaphore, #tpu.memory_space<semaphore_mem>>) {add = true}
      %dma_wait3A_81 = arith.constant 0 : i32
      %dma_wait3A_82 = tpu.memref_slice %arg8[%mul3A_42, %dma_wait3A_81] : memref<48x128xi32, #tpu.memory_space<vmem>> -> memref<1x128xi32, #tpu.memory_space<vmem>>
      %dma_wait3A_83 = tpu.memref_squeeze %dma_wait3A_82 : memref<1x128xi32, #tpu.memory_space<vmem>> -> memref<128xi32, #tpu.memory_space<vmem>>
      %dma_wait3A_84 = arith.constant 0 : i32
      %dma_wait3A_85 = arith.constant 0 : i32
      %dma_wait3A_86 = tpu.memref_slice %arg11[%dma_wait3A_84, %dma_wait3A_85] : memref<10240x128xf32, #tpu.memory_space<vmem_shared>> -> memref<10240x128xf32, #tpu.memory_space<vmem_shared>>
      tpu.wait_indirect_dma semaphore(%arg14 : memref<!tpu.dma_semaphore, #tpu.memory_space<semaphore_mem>>) src(%arg9 : memref<128x128xf32, #tpu.memory_space<vmem>>) dst(%dma_wait3A_86 : memref<10240x128xf32, #tpu.memory_space<vmem_shared>>)
      %dma_wait3A_87 = arith.constant 0 : i32
      %dma_wait3A_88 = tpu.memref_slice %arg8[%add3A_74, %dma_wait3A_87] : memref<48x128xi32, #tpu.memory_space<vmem>> -> memref<1x128xi32, #tpu.memory_space<vmem>>
      %dma_wait3A_89 = tpu.memref_squeeze %dma_wait3A_88 : memref<1x128xi32, #tpu.memory_space<vmem>> -> memref<128xi32, #tpu.memory_space<vmem>>
      %dma_wait3A_90 = arith.constant 0 : i32
      %dma_wait3A_91 = arith.constant 0 : i32
      %dma_wait3A_92 = tpu.memref_slice %arg11[%dma_wait3A_90, %dma_wait3A_91] : memref<10240x128xf32, #tpu.memory_space<vmem_shared>> -> memref<10240x128xf32, #tpu.memory_space<vmem_shared>>
      tpu.wait_indirect_dma semaphore(%arg15 : memref<!tpu.dma_semaphore, #tpu.memory_space<semaphore_mem>>) src(%arg10 : memref<128x128xf32, #tpu.memory_space<vmem>>) dst(%dma_wait3A_92 : memref<10240x128xf32, #tpu.memory_space<vmem_shared>>)
    }
    %scan3A_14 = arith.constant 24 : i32
    %mul3A_15 = arith.constant 88 : i32
    %mul3A_16 = arith.muli %add3A, %mul3A_15 : i32
    %add3A_17 = arith.constant 48 : i32
    %add3A_18 = arith.addi %mul3A_16, %add3A_17 : i32
    "tpu.region"() ({
      %run_scoped3A = tpu.sem_alloc : memref<!tpu.dma_semaphore, #tpu.memory_space<semaphore_mem>>
      %dma_start3A = arith.constant 0 : i32
      %dma_start3A_36 = arith.constant 0 : i32
      %dma_start3A_37 = tpu.memref_slice %arg7[%dma_start3A, %dma_start3A_36] : memref<48x128xi32, #tpu.memory_space<vmem>> -> memref<40x128xi32, #tpu.memory_space<vmem>>
      %dma_start3A_38 = arith.constant 0 : i32
      %dma_start3A_39 = tpu.memref_slice %arg3[%add3A_18, %dma_start3A_38] : memref<2816x128xi32, #tpu.memory_space<hbm>> -> memref<40x128xi32, #tpu.memory_space<hbm>>
      %dma_start3A_40 = arith.constant 0 : i32
      %dma_start3A_41 = arith.constant 0 : i32
      %dma_start3A_42 = tpu.memref_slice %arg7[%dma_start3A_40, %dma_start3A_41] : memref<48x128xi32, #tpu.memory_space<vmem>> -> memref<40x128xi32, #tpu.memory_space<vmem>>
      %dma_start3A_43 = arith.constant 0 : i32
      %dma_start3A_44 = tpu.memref_slice %arg3[%add3A_18, %dma_start3A_43] : memref<2816x128xi32, #tpu.memory_space<hbm>> -> memref<40x128xi32, #tpu.memory_space<hbm>>
      tpu.enqueue_dma source(%dma_start3A_44 : memref<40x128xi32, #tpu.memory_space<hbm>>) target(%dma_start3A_42 : memref<40x128xi32, #tpu.memory_space<vmem>>) target_semaphore(%run_scoped3A : memref<!tpu.dma_semaphore, #tpu.memory_space<semaphore_mem>>)
      %dma_wait3A = arith.constant 0 : i32
      %dma_wait3A_45 = arith.constant 0 : i32
      %dma_wait3A_46 = tpu.memref_slice %arg7[%dma_wait3A, %dma_wait3A_45] : memref<48x128xi32, #tpu.memory_space<vmem>> -> memref<40x128xi32, #tpu.memory_space<vmem>>
      %dma_wait3A_47 = arith.constant 0 : i32
      %dma_wait3A_48 = tpu.memref_slice %arg3[%add3A_18, %dma_wait3A_47] : memref<2816x128xi32, #tpu.memory_space<hbm>> -> memref<40x128xi32, #tpu.memory_space<hbm>>
      %dma_wait3A_49 = arith.constant 0 : i32
      %dma_wait3A_50 = arith.constant 0 : i32
      %dma_wait3A_51 = tpu.memref_slice %arg7[%dma_wait3A_49, %dma_wait3A_50] : memref<48x128xi32, #tpu.memory_space<vmem>> -> memref<40x128xi32, #tpu.memory_space<vmem>>
      %dma_wait3A_52 = arith.constant 0 : i32
      %dma_wait3A_53 = tpu.memref_slice %arg3[%add3A_18, %dma_wait3A_52] : memref<2816x128xi32, #tpu.memory_space<hbm>> -> memref<40x128xi32, #tpu.memory_space<hbm>>
      tpu.wait_dma2 semaphore(%run_scoped3A : memref<!tpu.dma_semaphore, #tpu.memory_space<semaphore_mem>>) src(%dma_wait3A_53 : memref<40x128xi32, #tpu.memory_space<hbm>>) dst(%dma_wait3A_51 : memref<40x128xi32, #tpu.memory_space<vmem>>)
      tpu.yield
    }) : () -> ()
    %mul3A_19 = arith.constant 88 : i32
    %mul3A_20 = arith.muli %add3A, %mul3A_19 : i32
    %add3A_21 = arith.constant 48 : i32
    %add3A_22 = arith.addi %mul3A_20, %add3A_21 : i32
    "tpu.region"() ({
      %run_scoped3A = tpu.sem_alloc : memref<!tpu.dma_semaphore, #tpu.memory_space<semaphore_mem>>
      %dma_start3A = arith.constant 0 : i32
      %dma_start3A_36 = arith.constant 0 : i32
      %dma_start3A_37 = tpu.memref_slice %arg8[%dma_start3A, %dma_start3A_36] : memref<48x128xi32, #tpu.memory_space<vmem>> -> memref<40x128xi32, #tpu.memory_space<vmem>>
      %dma_start3A_38 = arith.constant 0 : i32
      %dma_start3A_39 = tpu.memref_slice %arg4[%add3A_22, %dma_start3A_38] : memref<2816x128xi32, #tpu.memory_space<hbm>> -> memref<40x128xi32, #tpu.memory_space<hbm>>
      %dma_start3A_40 = arith.constant 0 : i32
      %dma_start3A_41 = arith.constant 0 : i32
      %dma_start3A_42 = tpu.memref_slice %arg8[%dma_start3A_40, %dma_start3A_41] : memref<48x128xi32, #tpu.memory_space<vmem>> -> memref<40x128xi32, #tpu.memory_space<vmem>>
      %dma_start3A_43 = arith.constant 0 : i32
      %dma_start3A_44 = tpu.memref_slice %arg4[%add3A_22, %dma_start3A_43] : memref<2816x128xi32, #tpu.memory_space<hbm>> -> memref<40x128xi32, #tpu.memory_space<hbm>>
      tpu.enqueue_dma source(%dma_start3A_44 : memref<40x128xi32, #tpu.memory_space<hbm>>) target(%dma_start3A_42 : memref<40x128xi32, #tpu.memory_space<vmem>>) target_semaphore(%run_scoped3A : memref<!tpu.dma_semaphore, #tpu.memory_space<semaphore_mem>>)
      %dma_wait3A = arith.constant 0 : i32
      %dma_wait3A_45 = arith.constant 0 : i32
      %dma_wait3A_46 = tpu.memref_slice %arg8[%dma_wait3A, %dma_wait3A_45] : memref<48x128xi32, #tpu.memory_space<vmem>> -> memref<40x128xi32, #tpu.memory_space<vmem>>
      %dma_wait3A_47 = arith.constant 0 : i32
      %dma_wait3A_48 = tpu.memref_slice %arg4[%add3A_22, %dma_wait3A_47] : memref<2816x128xi32, #tpu.memory_space<hbm>> -> memref<40x128xi32, #tpu.memory_space<hbm>>
      %dma_wait3A_49 = arith.constant 0 : i32
      %dma_wait3A_50 = arith.constant 0 : i32
      %dma_wait3A_51 = tpu.memref_slice %arg8[%dma_wait3A_49, %dma_wait3A_50] : memref<48x128xi32, #tpu.memory_space<vmem>> -> memref<40x128xi32, #tpu.memory_space<vmem>>
      %dma_wait3A_52 = arith.constant 0 : i32
      %dma_wait3A_53 = tpu.memref_slice %arg4[%add3A_22, %dma_wait3A_52] : memref<2816x128xi32, #tpu.memory_space<hbm>> -> memref<40x128xi32, #tpu.memory_space<hbm>>
      tpu.wait_dma2 semaphore(%run_scoped3A : memref<!tpu.dma_semaphore, #tpu.memory_space<semaphore_mem>>) src(%dma_wait3A_53 : memref<40x128xi32, #tpu.memory_space<hbm>>) dst(%dma_wait3A_51 : memref<40x128xi32, #tpu.memory_space<vmem>>)
      tpu.yield
    }) : () -> ()
    %scan3A_23 = arith.constant 0 : i32
    %scan3A_24 = arith.constant 17 : i32
    %scan3A_25 = arith.addi %scan3A_23, %scan3A_24 : i32
    %scan3A_26 = arith.constant 1 : i32
    scf.for %scan3A_36 = %scan3A_23 to %scan3A_25 step %scan3A_26  : i32 {
      %mul3A_37 = arith.constant 1 : i32
      %mul3A_38 = arith.muli %scan3A_36, %mul3A_37 : i32
      %add3A_39 = arith.constant 0 : i32
      %add3A_40 = arith.addi %add3A_39, %mul3A_38 : i32
      %mul3A_41 = arith.constant 2 : i32
      %mul3A_42 = arith.muli %add3A_40, %mul3A_41 : i32
      %dma_start3A = arith.constant 0 : i32
      %dma_start3A_43 = tpu.memref_slice %arg7[%mul3A_42, %dma_start3A] : memref<48x128xi32, #tpu.memory_space<vmem>> -> memref<1x128xi32, #tpu.memory_space<vmem>>
      %dma_start3A_44 = tpu.memref_squeeze %dma_start3A_43 : memref<1x128xi32, #tpu.memory_space<vmem>> -> memref<128xi32, #tpu.memory_space<vmem>>
      %dma_start3A_45 = arith.constant 0 : i32
      %dma_start3A_46 = arith.constant 0 : i32
      %dma_start3A_47 = tpu.memref_slice %arg2[%dma_start3A_45, %dma_start3A_46] : memref<10000x128xf32, #tpu.memory_space<hbm>> -> memref<10000x128xf32, #tpu.memory_space<hbm>>
      tpu.enqueue_indirect_dma source(%dma_start3A_47 : memref<10000x128xf32, #tpu.memory_space<hbm>>) target(%arg9 : memref<128x128xf32, #tpu.memory_space<vmem>>) offsets(%dma_start3A_44 : memref<128xi32, #tpu.memory_space<vmem>>) semaphore(%arg12 : memref<!tpu.dma_semaphore, #tpu.memory_space<semaphore_mem>>)
      %add3A_48 = arith.constant 1 : i32
      %add3A_49 = arith.addi %mul3A_42, %add3A_48 : i32
      %dma_start3A_50 = arith.constant 0 : i32
      %dma_start3A_51 = tpu.memref_slice %arg7[%add3A_49, %dma_start3A_50] : memref<48x128xi32, #tpu.memory_space<vmem>> -> memref<1x128xi32, #tpu.memory_space<vmem>>
      %dma_start3A_52 = tpu.memref_squeeze %dma_start3A_51 : memref<1x128xi32, #tpu.memory_space<vmem>> -> memref<128xi32, #tpu.memory_space<vmem>>
      %dma_start3A_53 = arith.constant 0 : i32
      %dma_start3A_54 = arith.constant 0 : i32
      %dma_start3A_55 = tpu.memref_slice %arg2[%dma_start3A_53, %dma_start3A_54] : memref<10000x128xf32, #tpu.memory_space<hbm>> -> memref<10000x128xf32, #tpu.memory_space<hbm>>
      tpu.enqueue_indirect_dma source(%dma_start3A_55 : memref<10000x128xf32, #tpu.memory_space<hbm>>) target(%arg10 : memref<128x128xf32, #tpu.memory_space<vmem>>) offsets(%dma_start3A_52 : memref<128xi32, #tpu.memory_space<vmem>>) semaphore(%arg13 : memref<!tpu.dma_semaphore, #tpu.memory_space<semaphore_mem>>)
      %dma_wait3A = arith.constant 0 : i32
      %dma_wait3A_56 = tpu.memref_slice %arg7[%mul3A_42, %dma_wait3A] : memref<48x128xi32, #tpu.memory_space<vmem>> -> memref<1x128xi32, #tpu.memory_space<vmem>>
      %dma_wait3A_57 = tpu.memref_squeeze %dma_wait3A_56 : memref<1x128xi32, #tpu.memory_space<vmem>> -> memref<128xi32, #tpu.memory_space<vmem>>
      %dma_wait3A_58 = arith.constant 0 : i32
      %dma_wait3A_59 = arith.constant 0 : i32
      %dma_wait3A_60 = tpu.memref_slice %arg2[%dma_wait3A_58, %dma_wait3A_59] : memref<10000x128xf32, #tpu.memory_space<hbm>> -> memref<10000x128xf32, #tpu.memory_space<hbm>>
      tpu.wait_indirect_dma semaphore(%arg12 : memref<!tpu.dma_semaphore, #tpu.memory_space<semaphore_mem>>) src(%dma_wait3A_60 : memref<10000x128xf32, #tpu.memory_space<hbm>>) dst(%arg9 : memref<128x128xf32, #tpu.memory_space<vmem>>)
      %dma_start3A_61 = arith.constant 0 : i32
      %dma_start3A_62 = tpu.memref_slice %arg8[%mul3A_42, %dma_start3A_61] : memref<48x128xi32, #tpu.memory_space<vmem>> -> memref<1x128xi32, #tpu.memory_space<vmem>>
      %dma_start3A_63 = tpu.memref_squeeze %dma_start3A_62 : memref<1x128xi32, #tpu.memory_space<vmem>> -> memref<128xi32, #tpu.memory_space<vmem>>
      %dma_start3A_64 = arith.constant 0 : i32
      %dma_start3A_65 = arith.constant 0 : i32
      %dma_start3A_66 = tpu.memref_slice %arg11[%dma_start3A_64, %dma_start3A_65] : memref<10240x128xf32, #tpu.memory_space<vmem_shared>> -> memref<10240x128xf32, #tpu.memory_space<vmem_shared>>
      tpu.enqueue_indirect_dma source(%arg9 : memref<128x128xf32, #tpu.memory_space<vmem>>) target(%dma_start3A_66 : memref<10240x128xf32, #tpu.memory_space<vmem_shared>>) offsets(%dma_start3A_63 : memref<128xi32, #tpu.memory_space<vmem>>) semaphore(%arg14 : memref<!tpu.dma_semaphore, #tpu.memory_space<semaphore_mem>>) {add = true}
      %dma_wait3A_67 = arith.constant 0 : i32
      %dma_wait3A_68 = tpu.memref_slice %arg7[%add3A_49, %dma_wait3A_67] : memref<48x128xi32, #tpu.memory_space<vmem>> -> memref<1x128xi32, #tpu.memory_space<vmem>>
      %dma_wait3A_69 = tpu.memref_squeeze %dma_wait3A_68 : memref<1x128xi32, #tpu.memory_space<vmem>> -> memref<128xi32, #tpu.memory_space<vmem>>
      %dma_wait3A_70 = arith.constant 0 : i32
      %dma_wait3A_71 = arith.constant 0 : i32
      %dma_wait3A_72 = tpu.memref_slice %arg2[%dma_wait3A_70, %dma_wait3A_71] : memref<10000x128xf32, #tpu.memory_space<hbm>> -> memref<10000x128xf32, #tpu.memory_space<hbm>>
      tpu.wait_indirect_dma semaphore(%arg13 : memref<!tpu.dma_semaphore, #tpu.memory_space<semaphore_mem>>) src(%dma_wait3A_72 : memref<10000x128xf32, #tpu.memory_space<hbm>>) dst(%arg10 : memref<128x128xf32, #tpu.memory_space<vmem>>)
      %add3A_73 = arith.constant 1 : i32
      %add3A_74 = arith.addi %mul3A_42, %add3A_73 : i32
      %dma_start3A_75 = arith.constant 0 : i32
      %dma_start3A_76 = tpu.memref_slice %arg8[%add3A_74, %dma_start3A_75] : memref<48x128xi32, #tpu.memory_space<vmem>> -> memref<1x128xi32, #tpu.memory_space<vmem>>
      %dma_start3A_77 = tpu.memref_squeeze %dma_start3A_76 : memref<1x128xi32, #tpu.memory_space<vmem>> -> memref<128xi32, #tpu.memory_space<vmem>>
      %dma_start3A_78 = arith.constant 0 : i32
      %dma_start3A_79 = arith.constant 0 : i32
      %dma_start3A_80 = tpu.memref_slice %arg11[%dma_start3A_78, %dma_start3A_79] : memref<10240x128xf32, #tpu.memory_space<vmem_shared>> -> memref<10240x128xf32, #tpu.memory_space<vmem_shared>>
      tpu.enqueue_indirect_dma source(%arg10 : memref<128x128xf32, #tpu.memory_space<vmem>>) target(%dma_start3A_80 : memref<10240x128xf32, #tpu.memory_space<vmem_shared>>) offsets(%dma_start3A_77 : memref<128xi32, #tpu.memory_space<vmem>>) semaphore(%arg15 : memref<!tpu.dma_semaphore, #tpu.memory_space<semaphore_mem>>) {add = true}
      %dma_wait3A_81 = arith.constant 0 : i32
      %dma_wait3A_82 = tpu.memref_slice %arg8[%mul3A_42, %dma_wait3A_81] : memref<48x128xi32, #tpu.memory_space<vmem>> -> memref<1x128xi32, #tpu.memory_space<vmem>>
      %dma_wait3A_83 = tpu.memref_squeeze %dma_wait3A_82 : memref<1x128xi32, #tpu.memory_space<vmem>> -> memref<128xi32, #tpu.memory_space<vmem>>
      %dma_wait3A_84 = arith.constant 0 : i32
      %dma_wait3A_85 = arith.constant 0 : i32
      %dma_wait3A_86 = tpu.memref_slice %arg11[%dma_wait3A_84, %dma_wait3A_85] : memref<10240x128xf32, #tpu.memory_space<vmem_shared>> -> memref<10240x128xf32, #tpu.memory_space<vmem_shared>>
      tpu.wait_indirect_dma semaphore(%arg14 : memref<!tpu.dma_semaphore, #tpu.memory_space<semaphore_mem>>) src(%arg9 : memref<128x128xf32, #tpu.memory_space<vmem>>) dst(%dma_wait3A_86 : memref<10240x128xf32, #tpu.memory_space<vmem_shared>>)
      %dma_wait3A_87 = arith.constant 0 : i32
      %dma_wait3A_88 = tpu.memref_slice %arg8[%add3A_74, %dma_wait3A_87] : memref<48x128xi32, #tpu.memory_space<vmem>> -> memref<1x128xi32, #tpu.memory_space<vmem>>
      %dma_wait3A_89 = tpu.memref_squeeze %dma_wait3A_88 : memref<1x128xi32, #tpu.memory_space<vmem>> -> memref<128xi32, #tpu.memory_space<vmem>>
      %dma_wait3A_90 = arith.constant 0 : i32
      %dma_wait3A_91 = arith.constant 0 : i32
      %dma_wait3A_92 = tpu.memref_slice %arg11[%dma_wait3A_90, %dma_wait3A_91] : memref<10240x128xf32, #tpu.memory_space<vmem_shared>> -> memref<10240x128xf32, #tpu.memory_space<vmem_shared>>
      tpu.wait_indirect_dma semaphore(%arg15 : memref<!tpu.dma_semaphore, #tpu.memory_space<semaphore_mem>>) src(%arg10 : memref<128x128xf32, #tpu.memory_space<vmem>>) dst(%dma_wait3A_92 : memref<10240x128xf32, #tpu.memory_space<vmem_shared>>)
    }
    %scan3A_27 = arith.constant 17 : i32
    %barrier3A_28 = arith.constant 0 : index
    tpu.barrier barrier_id(%barrier3A_28)
    %mul3A_29 = arith.constant 640 : i32
    %mul3A_30 = arith.muli %arg1, %mul3A_29 : i32
    %mul3A_31 = arith.constant 10240 : i32
    %mul3A_32 = arith.muli %arg0, %mul3A_31 : i32
    %mul3A_33 = arith.constant 640 : i32
    %mul3A_34 = arith.muli %arg1, %mul3A_33 : i32
    %add3A_35 = arith.addi %mul3A_32, %mul3A_34 : i32
    "tpu.region"() ({
      %run_scoped3A = tpu.sem_alloc : memref<!tpu.dma_semaphore, #tpu.memory_space<semaphore_mem>>
      %dma_start3A = arith.constant 0 : i32
      %dma_start3A_36 = tpu.memref_slice %arg6[%add3A_35, %dma_start3A] : memref<20480x128xf32, #tpu.memory_space<hbm>> -> memref<640x128xf32, #tpu.memory_space<hbm>>
      %dma_start3A_37 = arith.constant 0 : i32
      %dma_start3A_38 = tpu.memref_slice %arg11[%mul3A_30, %dma_start3A_37] : memref<10240x128xf32, #tpu.memory_space<vmem_shared>> -> memref<640x128xf32, #tpu.memory_space<vmem_shared>>
      tpu.enqueue_dma source(%dma_start3A_38 : memref<640x128xf32, #tpu.memory_space<vmem_shared>>) target(%dma_start3A_36 : memref<640x128xf32, #tpu.memory_space<hbm>>) target_semaphore(%run_scoped3A : memref<!tpu.dma_semaphore, #tpu.memory_space<semaphore_mem>>)
      %dma_wait3A = arith.constant 0 : i32
      %dma_wait3A_39 = tpu.memref_slice %arg6[%add3A_35, %dma_wait3A] : memref<20480x128xf32, #tpu.memory_space<hbm>> -> memref<640x128xf32, #tpu.memory_space<hbm>>
      %dma_wait3A_40 = arith.constant 0 : i32
      %dma_wait3A_41 = tpu.memref_slice %arg11[%mul3A_30, %dma_wait3A_40] : memref<10240x128xf32, #tpu.memory_space<vmem_shared>> -> memref<640x128xf32, #tpu.memory_space<vmem_shared>>
      tpu.wait_dma2 semaphore(%run_scoped3A : memref<!tpu.dma_semaphore, #tpu.memory_space<semaphore_mem>>) src(%dma_wait3A_41 : memref<640x128xf32, #tpu.memory_space<vmem_shared>>) dst(%dma_wait3A_39 : memref<640x128xf32, #tpu.memory_space<hbm>>)
      tpu.yield
    }) : () -> ()
    return
  }
}

module attributes {stable_mosaic.version = 14 : i64} {
  func.func @_dinv_body(%arg0: memref<2x80x128xf32, #tpu.memory_space<vmem>>, %arg1: memref<80x128xf32, #tpu.memory_space<vmem>>) attributes {dimension_semantics = [], scalar_prefetch = 0 : i64, scratch_operands = 0 : i64, tpu.core_type = #tpu.core_type<tc>} {
    %get3A = arith.constant 0 : index
    %get3A_0 = arith.constant 0 : index
    %get3A_1 = arith.constant 0 : index
    %get3A_2 = vector.load %arg0[%get3A, %get3A_0, %get3A_1] : memref<2x80x128xf32, #tpu.memory_space<vmem>>, vector<1x80x128xf32>
    %get3A_3 = vector.shape_cast %get3A_2 : vector<1x80x128xf32> to vector<80x128xf32>
    %get3A_4 = arith.constant 1 : index
    %get3A_5 = arith.constant 0 : index
    %get3A_6 = arith.constant 0 : index
    %get3A_7 = vector.load %arg0[%get3A_4, %get3A_5, %get3A_6] : memref<2x80x128xf32, #tpu.memory_space<vmem>>, vector<1x80x128xf32>
    %get3A_8 = vector.shape_cast %get3A_7 : vector<1x80x128xf32> to vector<80x128xf32>
    %add3A = arith.addf %get3A_3, %get3A_8 : vector<80x128xf32>
    %gt3A = arith.constant 0.000000e+00 : f32
    %gt3A_9 = vector.broadcast %gt3A : f32 to vector<80x128xf32>
    %gt3A_10 = arith.cmpf ogt, %add3A, %gt3A_9 : vector<80x128xf32>
    %max3A = arith.constant 9.99999996E-13 : f32
    %max3A_11 = vector.broadcast %max3A : f32 to vector<80x128xf32>
    %max3A_12 = arith.maximumf %add3A, %max3A_11 : vector<80x128xf32>
    %rsqrt3A = math.rsqrt %max3A_12 : vector<80x128xf32>
    %jit3A = arith.constant 0.000000e+00 : f32
    %broadcast_in_dim3A = vector.broadcast %jit3A : f32 to vector<80x128xf32>
    %select_n3A = arith.select %gt3A_10, %rsqrt3A, %broadcast_in_dim3A : vector<80x128xi1>, vector<80x128xf32>
    %swap3A = arith.constant 0 : index
    %swap3A_13 = arith.constant 0 : index
    %swap3A_14 = vector.load %arg1[%swap3A, %swap3A_13] : memref<80x128xf32, #tpu.memory_space<vmem>>, vector<80x128xf32>
    tpu.vector_store %arg1[%swap3A, %swap3A_13], %select_n3A {strides = array<i32>} : memref<80x128xf32, #tpu.memory_space<vmem>>, vector<80x128xf32>,
    return
  }
}

module attributes {stable_mosaic.version = 14 : i64} {
  func.func @_scale_body(%arg0: i32, %arg1: memref<2000x128xf32, #tpu.memory_space<vmem>>, %arg2: memref<2000x1xf32, #tpu.memory_space<vmem>>, %arg3: memref<2000x128xf32, #tpu.memory_space<vmem>>) attributes {dimension_semantics = [#tpu.dimension_semantics<arbitrary>], iteration_bounds = array<i64: 5>, scalar_prefetch = 0 : i64, scratch_operands = 0 : i64, tpu.core_type = #tpu.core_type<tc>, window_params = [{transform_indices = @transform_0, window_bounds = array<i64: 2000, 128>}, {transform_indices = @transform_1, window_bounds = array<i64: 2000, 1>}, {transform_indices = @transform_2, window_bounds = array<i64: 2000, 128>}]} {
    %get3A = arith.constant 0 : index
    %get3A_0 = arith.constant 0 : index
    %get3A_1 = vector.load %arg1[%get3A, %get3A_0] : memref<2000x128xf32, #tpu.memory_space<vmem>>, vector<2000x128xf32>
    %get3A_2 = arith.constant 0 : index
    %get3A_3 = arith.constant 0 : index
    %get3A_4 = vector.load %arg2[%get3A_2, %get3A_3] : memref<2000x1xf32, #tpu.memory_space<vmem>>, vector<2000x1xf32>
    %mul3A = vector.broadcast %get3A_4 : vector<2000x1xf32> to vector<2000x128xf32>
    %mul3A_5 = arith.mulf %get3A_1, %mul3A : vector<2000x128xf32>
    %swap3A = arith.constant 0 : index
    %swap3A_6 = arith.constant 0 : index
    %swap3A_7 = vector.load %arg3[%swap3A, %swap3A_6] : memref<2000x128xf32, #tpu.memory_space<vmem>>, vector<2000x128xf32>
    tpu.vector_store %arg3[%swap3A, %swap3A_6], %mul3A_5 {strides = array<i32>} : memref<2000x128xf32, #tpu.memory_space<vmem>>, vector<2000x128xf32>,
    return
  }
  func.func @transform_0(%arg0: i32) -> (i32, i32) {
    %c0_i32 = arith.constant 0 : i32
    %c0_i32_0 = arith.constant 0 : i32
    return %arg0, %c0_i32 : i32, i32
  }
  func.func @transform_1(%arg0: i32) -> (i32, i32) {
    %c0_i32 = arith.constant 0 : i32
    %c0_i32_0 = arith.constant 0 : i32
    return %arg0, %c0_i32 : i32, i32
  }
  func.func @transform_2(%arg0: i32) -> (i32, i32) {
    %c0_i32 = arith.constant 0 : i32
    %c0_i32_0 = arith.constant 0 : i32
    return %arg0, %c0_i32 : i32, i32
  }
}

module attributes {stable_mosaic.version = 14 : i64} {
  func.func @_mlp_body(%arg0: i32, %arg1: memref<2x2000x128xf32, #tpu.memory_space<vmem>>, %arg2: memref<2000x1xf32, #tpu.memory_space<vmem>>, %arg3: memref<128x256xf32, #tpu.memory_space<vmem>>, %arg4: memref<1x256xf32, #tpu.memory_space<vmem>>, %arg5: memref<256x128xf32, #tpu.memory_space<vmem>>, %arg6: memref<2000x128xf32, #tpu.memory_space<vmem>>) attributes {dimension_semantics = [#tpu.dimension_semantics<arbitrary>], iteration_bounds = array<i64: 5>, scalar_prefetch = 0 : i64, scratch_operands = 0 : i64, tpu.core_type = #tpu.core_type<tc>, window_params = [{transform_indices = @transform_0, window_bounds = array<i64: 2, 2000, 128>}, {transform_indices = @transform_1, window_bounds = array<i64: 2000, 1>}, {pipeline_mode = #tpu.pipeline_mode<synchronous>, transform_indices = @transform_2, window_bounds = array<i64: 128, 256>}, {pipeline_mode = #tpu.pipeline_mode<synchronous>, transform_indices = @transform_3, window_bounds = array<i64: 1, 256>}, {pipeline_mode = #tpu.pipeline_mode<synchronous>, transform_indices = @transform_4, window_bounds = array<i64: 256, 128>}, {transform_indices = @transform_5, window_bounds = array<i64: 2000, 128>}]} {
    %get3A = arith.constant 0 : index
    %get3A_0 = arith.constant 0 : index
    %get3A_1 = arith.constant 0 : index
    %get3A_2 = vector.load %arg1[%get3A, %get3A_0, %get3A_1] : memref<2x2000x128xf32, #tpu.memory_space<vmem>>, vector<1x2000x128xf32>
    %get3A_3 = vector.shape_cast %get3A_2 : vector<1x2000x128xf32> to vector<2000x128xf32>
    %get3A_4 = arith.constant 1 : index
    %get3A_5 = arith.constant 0 : index
    %get3A_6 = arith.constant 0 : index
    %get3A_7 = vector.load %arg1[%get3A_4, %get3A_5, %get3A_6] : memref<2x2000x128xf32, #tpu.memory_space<vmem>>, vector<1x2000x128xf32>
    %get3A_8 = vector.shape_cast %get3A_7 : vector<1x2000x128xf32> to vector<2000x128xf32>
    %add3A = arith.addf %get3A_3, %get3A_8 : vector<2000x128xf32>
    %get3A_9 = arith.constant 0 : index
    %get3A_10 = arith.constant 0 : index
    %get3A_11 = vector.load %arg2[%get3A_9, %get3A_10] : memref<2000x1xf32, #tpu.memory_space<vmem>>, vector<2000x1xf32>
    %mul3A = vector.broadcast %get3A_11 : vector<2000x1xf32> to vector<2000x128xf32>
    %mul3A_12 = arith.mulf %add3A, %mul3A : vector<2000x128xf32>
    %get3A_13 = arith.constant 0 : index
    %get3A_14 = arith.constant 0 : index
    %get3A_15 = vector.load %arg3[%get3A_13, %get3A_14] : memref<128x256xf32, #tpu.memory_space<vmem>>, vector<128x256xf32>
    %dot_general3A = arith.constant dense<0.000000e+00> : vector<2000x256xf32>
    %dot_general3A_16 = tpu.matmul %mul3A_12, %get3A_15, %dot_general3A {dimension_numbers = #tpu.dot_dimension_numbers<[1], [0], [0], [1], [0, 0, 1, 1], [], []>, transpose_lhs_hint = false} : vector<2000x128xf32>, vector<128x256xf32>, vector<2000x256xf32> -> vector<2000x256xf32>
    %get3A_17 = arith.constant 0 : index
    %get3A_18 = arith.constant 0 : index
    %get3A_19 = vector.load %arg4[%get3A_17, %get3A_18] : memref<1x256xf32, #tpu.memory_space<vmem>>, vector<1x256xf32>
    %add3A_20 = vector.broadcast %get3A_19 : vector<1x256xf32> to vector<2000x256xf32>
    %add3A_21 = arith.addf %dot_general3A_16, %add3A_20 : vector<2000x256xf32>
    %max3A = arith.constant 0.000000e+00 : f32
    %max3A_22 = vector.broadcast %max3A : f32 to vector<2000x256xf32>
    %max3A_23 = arith.maximumf %add3A_21, %max3A_22 : vector<2000x256xf32>
    %get3A_24 = arith.constant 0 : index
    %get3A_25 = arith.constant 0 : index
    %get3A_26 = vector.load %arg5[%get3A_24, %get3A_25] : memref<256x128xf32, #tpu.memory_space<vmem>>, vector<256x128xf32>
    %dot_general3A_27 = arith.constant dense<0.000000e+00> : vector<2000x128xf32>
    %dot_general3A_28 = tpu.matmul %max3A_23, %get3A_26, %dot_general3A_27 {dimension_numbers = #tpu.dot_dimension_numbers<[1], [0], [0], [1], [0, 0, 1, 1], [], []>, transpose_lhs_hint = false} : vector<2000x256xf32>, vector<256x128xf32>, vector<2000x128xf32> -> vector<2000x128xf32>
    %get3A_29 = arith.constant 0 : index
    %get3A_30 = arith.constant 0 : index
    %get3A_31 = vector.load %arg2[%get3A_29, %get3A_30] : memref<2000x1xf32, #tpu.memory_space<vmem>>, vector<2000x1xf32>
    %mul3A_32 = vector.broadcast %get3A_31 : vector<2000x1xf32> to vector<2000x128xf32>
    %mul3A_33 = arith.mulf %dot_general3A_28, %mul3A_32 : vector<2000x128xf32>
    %swap3A = arith.constant 0 : index
    %swap3A_34 = arith.constant 0 : index
    %swap3A_35 = vector.load %arg6[%swap3A, %swap3A_34] : memref<2000x128xf32, #tpu.memory_space<vmem>>, vector<2000x128xf32>
    tpu.vector_store %arg6[%swap3A, %swap3A_34], %mul3A_33 {strides = array<i32>} : memref<2000x128xf32, #tpu.memory_space<vmem>>, vector<2000x128xf32>,
    return
  }
  func.func @transform_0(%arg0: i32) -> (i32, i32, i32) {
    %c0_i32 = arith.constant 0 : i32
    %c0_i32_0 = arith.constant 0 : i32
    %c0_i32_1 = arith.constant 0 : i32
    return %c0_i32, %arg0, %c0_i32_0 : i32, i32, i32
  }
  func.func @transform_1(%arg0: i32) -> (i32, i32) {
    %c0_i32 = arith.constant 0 : i32
    %c0_i32_0 = arith.constant 0 : i32
    return %arg0, %c0_i32 : i32, i32
  }
  func.func @transform_2(%arg0: i32) -> (i32, i32) {
    %c0_i32 = arith.constant 0 : i32
    %c0_i32_0 = arith.constant 0 : i32
    %c0_i32_1 = arith.constant 0 : i32
    return %c0_i32, %c0_i32_0 : i32, i32
  }
  func.func @transform_3(%arg0: i32) -> (i32, i32) {
    %c0_i32 = arith.constant 0 : i32
    %c0_i32_0 = arith.constant 0 : i32
    %c0_i32_1 = arith.constant 0 : i32
    return %c0_i32, %c0_i32_0 : i32, i32
  }
  func.func @transform_4(%arg0: i32) -> (i32, i32) {
    %c0_i32 = arith.constant 0 : i32
    %c0_i32_0 = arith.constant 0 : i32
    %c0_i32_1 = arith.constant 0 : i32
    return %c0_i32, %c0_i32_0 : i32, i32
  }
  func.func @transform_5(%arg0: i32) -> (i32, i32) {
    %c0_i32 = arith.constant 0 : i32
    %c0_i32_0 = arith.constant 0 : i32
    return %arg0, %c0_i32 : i32, i32
  }
}

module attributes {stable_mosaic.version = 14 : i64} {
  func.func @_final_body(%arg0: i32, %arg1: memref<2x2000x128xf32, #tpu.memory_space<vmem>>, %arg2: memref<2000x1xf32, #tpu.memory_space<vmem>>, %arg3: memref<1x128xf32, #tpu.memory_space<vmem>>, %arg4: memref<2000x128xf32, #tpu.memory_space<vmem>>) attributes {dimension_semantics = [#tpu.dimension_semantics<arbitrary>], iteration_bounds = array<i64: 5>, scalar_prefetch = 0 : i64, scratch_operands = 0 : i64, tpu.core_type = #tpu.core_type<tc>, window_params = [{transform_indices = @transform_0, window_bounds = array<i64: 2, 2000, 128>}, {transform_indices = @transform_1, window_bounds = array<i64: 2000, 1>}, {pipeline_mode = #tpu.pipeline_mode<synchronous>, transform_indices = @transform_2, window_bounds = array<i64: 1, 128>}, {transform_indices = @transform_3, window_bounds = array<i64: 2000, 128>}]} {
    %get3A = arith.constant 0 : index
    %get3A_0 = arith.constant 0 : index
    %get3A_1 = arith.constant 0 : index
    %get3A_2 = vector.load %arg1[%get3A, %get3A_0, %get3A_1] : memref<2x2000x128xf32, #tpu.memory_space<vmem>>, vector<1x2000x128xf32>
    %get3A_3 = vector.shape_cast %get3A_2 : vector<1x2000x128xf32> to vector<2000x128xf32>
    %get3A_4 = arith.constant 1 : index
    %get3A_5 = arith.constant 0 : index
    %get3A_6 = arith.constant 0 : index
    %get3A_7 = vector.load %arg1[%get3A_4, %get3A_5, %get3A_6] : memref<2x2000x128xf32, #tpu.memory_space<vmem>>, vector<1x2000x128xf32>
    %get3A_8 = vector.shape_cast %get3A_7 : vector<1x2000x128xf32> to vector<2000x128xf32>
    %add3A = arith.addf %get3A_3, %get3A_8 : vector<2000x128xf32>
    %get3A_9 = arith.constant 0 : index
    %get3A_10 = arith.constant 0 : index
    %get3A_11 = vector.load %arg2[%get3A_9, %get3A_10] : memref<2000x1xf32, #tpu.memory_space<vmem>>, vector<2000x1xf32>
    %mul3A = vector.broadcast %get3A_11 : vector<2000x1xf32> to vector<2000x128xf32>
    %mul3A_12 = arith.mulf %add3A, %mul3A : vector<2000x128xf32>
    %get3A_13 = arith.constant 0 : index
    %get3A_14 = arith.constant 0 : index
    %get3A_15 = vector.load %arg3[%get3A_13, %get3A_14] : memref<1x128xf32, #tpu.memory_space<vmem>>, vector<1x128xf32>
    %add3A_16 = vector.broadcast %get3A_15 : vector<1x128xf32> to vector<2000x128xf32>
    %add3A_17 = arith.addf %mul3A_12, %add3A_16 : vector<2000x128xf32>
    %swap3A = arith.constant 0 : index
    %swap3A_18 = arith.constant 0 : index
    %swap3A_19 = vector.load %arg4[%swap3A, %swap3A_18] : memref<2000x128xf32, #tpu.memory_space<vmem>>, vector<2000x128xf32>
    tpu.vector_store %arg4[%swap3A, %swap3A_18], %add3A_17 {strides = array<i32>} : memref<2000x128xf32, #tpu.memory_space<vmem>>, vector<2000x128xf32>,
    return
  }
  func.func @transform_0(%arg0: i32) -> (i32, i32, i32) {
    %c0_i32 = arith.constant 0 : i32
    %c0_i32_0 = arith.constant 0 : i32
    %c0_i32_1 = arith.constant 0 : i32
    return %c0_i32, %arg0, %c0_i32_0 : i32, i32, i32
  }
  func.func @transform_1(%arg0: i32) -> (i32, i32) {
    %c0_i32 = arith.constant 0 : i32
    %c0_i32_0 = arith.constant 0 : i32
    return %arg0, %c0_i32 : i32, i32
  }
  func.func @transform_2(%arg0: i32) -> (i32, i32) {
    %c0_i32 = arith.constant 0 : i32
    %c0_i32_0 = arith.constant 0 : i32
    %c0_i32_1 = arith.constant 0 : i32
    return %c0_i32, %c0_i32_0 : i32, i32
  }
  func.func @transform_3(%arg0: i32) -> (i32, i32) {
    %c0_i32 = arith.constant 0 : i32
    %c0_i32_0 = arith.constant 0 : i32
    return %arg0, %c0_i32 : i32, i32
  }
}

</mosaic_0001>

<sc_bundles>
// kernel: kernel.12.cloned.1.call-start
scs
__scs_entry_jumppad:
0x0: {  	(pc) =	sbr.rel $0x88, $3  }
0x1: {  	(tag) =	ssettag $0x0;
	lr =	simm.s32 $0x1  }
0x2: {  	[smem:$0x3F9B] =	sst lr;
	_ =	strace $0xD0000000  }
0x3: {  	_ = 	snop  }
0x4: {  	_ = 	snop  }
0x5: {  	_ = 	snop  }
0x6: {  	_ = 	snop  }
0x7: {  	_ = 	snop  }
__scs_overlays_trampoline_lowered:
0x8: {  	[smem:$0x3FAA] =	sst s0  }
0x9: {  	[smem:$0x3FAB] =	sst s1  }
0xa: {  	[smem:$0x3FAC] =	sst s2  }
0xb: {  	[smem:$0x3FAD] =	sst s3  }
0xc: {  	[smem:$0x3FAE] =	sst s4  }
0xd: {  	[smem:$0x3FAF] =	sst s5  }
0xe: {  	[smem:$0x3FB0] =	sst s6  }
0xf: {  	[smem:$0x3FB1] =	sst s7  }
0x10: {  	[smem:$0x3FB2] =	sst s8  }
0x11: {  	[smem:$0x3FB3] =	sst s9;
	s0 =	simm.s32 @!p0 $0x0  }
0x12: {  	s1 =	sld [smem:$0x3F99];
	s0 =	simm.s32 @p0 $0x1  }
0x13: {  	[smem:$0x3FB4] =	sst s0;
	s0 =	simm.s32 @!p1 $0x0  }
0x14: {  	s2 =	sld [smem:$0x3F98];
	s0 =	simm.s32 @p1 $0x1  }
0x15: {  	[smem:$0x3FB5] =	sst s0;
	s0 =	simm.s32 @!p2 $0x0  }
0x16: {  	s3 =	sld [smem:$0x3FDB];
	s0 =	simm.s32 @p2 $0x1  }
0x17: {  	s4 =	simm.s32 $0x1BF5;
	[smem:$0x3FB7] =	sst s0  }
0x18: {  	s0 =	sld [smem:$0x3F9A];
	_ =	swait.ge [sflag:s4], $0x0  }
0x19: {  	s7 =	sld [smem:$0x3F9B]  }
0x1a: {  	s8 =	sadd.s32 $0xFFFFE003, lr  }
0x1b: {  	s9 =	sadd.s32 $0xFFFFFEF7, lr;
	s5 =	simm.s32 $0xFFFFFFFF;
	p2 =	slt.u32 s8, $0xFFFFF086  }
0x1c: {  	p1 =	slt.u32 s9, $0xF7A;
	s5 =	simm.s32 @!p2 $0x0  }
0x1d: {  	s5 =	simm.s32 @p1 $0x1;
	p0 =	seq.s32 s7, s2  }
0x1e: {  	s7 =	smul.u32 @!p0 $0xF7A, s2;
	p2 =	seq.s32 @!p0 s5, $0x0  }
0x1f: {  	s9 =	smul.u32 $0xF7A, s1;
	s8 =	simm.s32 @!p0 $0x1BF5;
	p2 =	por !p2, p0  }
0x20: {  	[sflag:s8] =	ssyncset.s32 @!p0 $0xFFFFF086;
	s6 =	sadd.s32 @!p0 s3, s7;
	s7 =	simm.s32 @!p0 $0x108  }
0x21: {  	s3 =	sadd.s32 s3, s9;
	s6 =	sadd.s32 @!p0 $0x88, s6;
	s7 =	simm.s32 @p2 $0x1082  }
0x22: {  	[simem:s7], [sflag:s8] =	dma.local @!p0 [hbm:s6], $0xF7A  }
0x23: {  	s9 =	sor.u32 $0xD0000000, s2;
	s6 =	simm.s32 $0x108;
	_ =	swait.ge @!p0 [sflag:s8], $0x0  }
0x24: {  	s3 =	sadd.s32 $0x88, s3;
	s6 =	simm.s32 @!p1 $0x1082;
	[sflag:s4] =	ssyncset.s32 $0xFFFFF086  }
0x25: {  	[simem:s6], [sflag:s4] =	dma.local [hbm:s3], $0xF7A  }
0x26: {  	[smem:$0x3F9B] =	sst s1;
	(tag) =	ssettag s2;
	_ =	strace s9  }
0x27: {  	s1 =	sld [smem:$0x3FAB]  }
0x28: {  	s2 =	sld [smem:$0x3FAC]  }
0x29: {  	s4 =	sld [smem:$0x3FAE]  }
0x2a: {  	p0 =	seq.s32 s5, $0x0;
	s5 =	sld [smem:$0x3FAF]  }
0x2b: {  	s6 =	sld [smem:$0x3FB0]  }
0x2c: {  	s7 =	sld [smem:$0x3FB1]  }
0x2d: {  	s3 =	simm.s32 $0x108;
	s8 =	sld [smem:$0x3FB2]  }
0x2e: {  	s3 =	simm.s32 @!p0 $0x1082;
	s9 =	sld [smem:$0x3FB3]  }
0x2f: {  	lr =	sadd.s32 s0, s3;
	s0 =	sld [smem:$0x3FAA]  }
0x30: {  	s3 =	sld [smem:$0x3FAD]  }
0x31: {  	[smem:$0x3FB6] =	sst s10  }
0x32: {  	s10 =	sld [smem:$0x3FB4];
	_ =	sdelay $0x3  }
0x33: {  	p0 =	seq.s32 s10, $0x1;
	s10 =	sld [smem:$0x3FB6];
	_ =	sdelay $0x3  }
0x34: {  	[smem:$0x3FB6] =	sst s10  }
0x35: {  	s10 =	sld [smem:$0x3FB5];
	_ =	sdelay $0x3  }
0x36: {  	p1 =	seq.s32 s10, $0x1;
	s10 =	sld [smem:$0x3FB6];
	_ =	sdelay $0x3  }
0x37: {  	[smem:$0x3FB6] =	sst s10  }
0x38: {  	s10 =	sld [smem:$0x3FB7]  }
0x39: {  	_ = 	snop;
	(pc) =	sbr.ind lr, $3  }
0x3a: {  	_ = 	snop  }
0x3b: {  	_ = 	snop  }
0x3c: {  	p2 =	seq.s32 s10, $0x1;
	s10 =	sld [smem:$0x3FB6]  }
0x3d: {  	_ =	shalt  }
0x3e: {  	_ =	shalt  }
0x3f: {  	_ =	shalt  }
0x40: {  	_ =	shalt  }
0x41: {  	_ =	shalt  }
0x42: {  	_ =	shalt  }
0x43: {  	_ =	shalt  }
0x44: {  	_ =	shalt  }
0x45: {  	_ =	shalt  }
0x46: {  	_ =	shalt  }
0x47: {  	_ =	shalt  }
0x48: {  	_ =	shalt  }
0x49: {  	_ =	shalt  }
0x4a: {  	_ =	shalt  }
0x4b: {  	_ =	shalt  }
0x4c: {  	_ =	shalt  }
0x4d: {  	_ =	shalt  }
0x4e: {  	_ =	shalt  }
0x4f: {  	_ =	shalt  }
0x50: {  	_ =	shalt  }
0x51: {  	_ =	shalt  }
0x52: {  	_ =	shalt  }
0x53: {  	_ =	shalt  }
0x54: {  	_ =	shalt  }
0x55: {  	_ =	shalt  }
0x56: {  	_ =	shalt  }
0x57: {  	_ =	shalt  }
0x58: {  	_ =	shalt  }
0x59: {  	_ =	shalt  }
0x5a: {  	_ =	shalt  }
0x5b: {  	_ =	shalt  }
0x5c: {  	_ =	shalt  }
0x5d: {  	_ =	shalt  }
0x5e: {  	_ =	shalt  }
0x5f: {  	_ =	shalt  }
0x60: {  	_ =	shalt  }
0x61: {  	_ =	shalt  }
0x62: {  	_ =	shalt  }
0x63: {  	_ =	shalt  }
0x64: {  	_ =	shalt  }
0x65: {  	_ =	shalt  }
0x66: {  	_ =	shalt  }
0x67: {  	_ =	shalt  }
0x68: {  	_ =	shalt  }
0x69: {  	_ =	shalt  }
0x6a: {  	_ =	shalt  }
0x6b: {  	_ =	shalt  }
0x6c: {  	_ =	shalt  }
0x6d: {  	_ =	shalt  }
0x6e: {  	_ =	shalt  }
0x6f: {  	_ =	shalt  }
0x70: {  	_ =	shalt  }
0x71: {  	_ =	shalt  }
0x72: {  	_ =	shalt  }
0x73: {  	_ =	shalt  }
0x74: {  	_ =	shalt  }
0x75: {  	_ =	shalt  }
0x76: {  	_ =	shalt  }
0x77: {  	_ =	shalt  }
0x78: {  	_ =	shalt  }
0x79: {  	_ =	shalt  }
0x7a: {  	_ =	shalt  }
0x7b: {  	_ =	shalt  }
0x7c: {  	_ =	shalt  }
0x7d: {  	_ =	shalt  }
0x7e: {  	_ =	shalt  }
0x7f: {  	_ =	shalt  }
0x80: {  	_ =	shalt  }
0x81: {  	_ =	shalt  }
0x82: {  	_ =	shalt  }
0x83: {  	_ =	shalt  }
0x84: {  	_ =	shalt  }
0x85: {  	_ =	shalt  }
0x86: {  	_ =	shalt  }
0x87: {  	_ =	shalt  }
.Lfunc_end0:
.L_simem_size_0:
called_computation.1_lowered:
.L_overlay_start_0:
0x88: {  	s2 =	sld [smem:$0x3FD9]  }
0x89: {  	s3 =	sld [smem:$0x3FFE];
	_ =	sdelay $0x1  }
0x8a: {  	s1 =	srdreg.scid  }
0x8b: {  	s0 =	sand.u32 $0x1, s1  }
0x8c: {  	s17 =	sshll.u32 s0, $0xA;
	s2 =	sadd.s32 s3, s2  }
0x8d: {  	s2 =	sadd.s32 s2, s17  }
0x8e: {  	[smem:$0x3FC2] =	sst s2  }
0x8f: {  	_ = 	snop  }
0x90: {  	s2 =	sld [smem:$0x3FD0];
	(tm) =	ssettm $0x1  }
0x91: {  	s18 =	sld [smem:$0x3FFB];
	_ =	sdelay $0x3  }
0x92: {  	_ =	strace s18  }
0x93: {  	s3 =	sld [smem:$0x3FFC];
	_ =	sdelay $0x3  }
0x94: {  	_ =	strace s3  }
0x95: {  	s3 =	sld [smem:$0x3FFD];
	_ =	sdelay $0x3  }
0x96: {  	_ =	strace s3  }
0x97: {  	_ =	strace $0x8FFFFFFF  }
0x98: {  	s19 =	sld [smem:$0x3FDB];
	_ =	sdelay $0x1  }
0x99: {  	s4 =	simm.s32 $_scs_section_size  }
0x9a: {  	s5 =	simm.s32 $_size__tile_overlayer_lowered;
	s6 =	simm.s32 $_tile_overlayer_lowered  }
0x9b: {  	s22 =	simm.s32 $0x1BFF;
	s21 =	sshll.u32 s6, $0x1;
	s3 =	sadd.s32 s4, s19  }
0x9c: {  	s7 =	simm.s32 $0x0;
	s20 =	sshll.u32 s5, $0x1;
	s5 =	sadd.s32 s21, s3  }
0x9d: {  	[timem:s7], [sflag:s22] =	dma.local [hbm:s5], s20  }
0x9e: {  	_ =	swait.ge [sflag:s22], s20  }
0x9f: {  	s4 =	ssub.s32 $0x0, s20;
	[sflag:s22] =	ssyncset.done $0x0  }
0xa0: {  	[sflag:s22] =	ssyncadd.s32 s4;
	_ =	sdelay $0x1  }
0xa1: {  	s23 =	simm.s32 $0x1B8B  }
0xa2: {  	_ =	swait.ge [sflag:s23], $0x1  }
0xa3: {  	[sflag:s23] =	ssyncset.done $0x0  }
0xa4: {  	s25 =	simm.s32 $0x1B8E;
	s24 =	sld [smem:$0x3FFE];
	[sflag:s23] =	ssyncadd.s32 $0xFFFFFFFF  }
0xa5: {  	s26 =	simm.s32 $execute0_lowered;
	[smem:$0x3FD2] =	sst s25  }
0xa6: {  	s5 =	sshll.u32 s26, $0x1;
	_ =	strace $0x80000049;
	[dreg:$0x1] =	wrdreg $0xFFFFFFFF  }
0xa7: {  	s28 =	simm.s32 $_size_execute0_lowered;
	s3 =	sadd.s32 s3, s5;
	[dreg:$0x0] =	wrdreg $0x0  }
0xa8: {  	s5 =	sshll.u32 s28, $0x1;
	[dreg:$0x2] =	wrdreg s3  }
0xa9: {  	[dreg:$0x3] =	wrdreg s5  }
0xaa: {  	[dreg:$0x4] =	wrdreg $0xC0  }
0xab: {  	_ =	task [dreg:s7], $0x5FFFF  }
0xac: {  	[dreg:$0x1] =	wrdreg $0xFFFFFFFF  }
0xad: {  	[dreg:$0x0] =	wrdreg $0x60  }
0xae: {  	[dreg:$0x2] =	wrdreg s2  }
0xaf: {  	[dreg:$0x3] =	wrdreg s24  }
0xb0: {  	[dreg:$0x4] =	wrdreg $0xB0000  }
0xb1: {  	[dreg:$0x5] =	wrdreg $0x9  }
0xb2: {  	_ =	task.clear_ibuf [dreg:s7], $0x6FFFF;
	_ =	strace $0x90000049  }
0xb3: {  	s29 =	simm.s32 $0x9;
	_ =	strace $0x8000004B  }
0xb4: {  	_ =	swait.ge [sflag:s29], $0x1  }
0xb5: {  	[sflag:s29] =	ssyncadd.s32 $0xFFFFFFFF  }
0xb6: {  	_ =	strace $0x9000004B  }
0xb7: {  	_ =	sfence  }
0xb8: {  	s30 =	sld [smem:$0x0];
	_ =	sdelay $0x2  }
0xb9: {  	s31 =	sshll.u32 s1, $0xD;
	s1 =	sshrl.u32 s1, $0x2  }
0xba: {  	s3 =	sand.u32 $0x4000, s31;
	s1 =	sadd.s32 s1, s30  }
0xbb: {  	s0 =	sor.u32 s3, s0;
	s1 =	sshll.u32 s1, $0x11  }
0xbc: {  	s0 =	sor.u32 s1, s0  }
0xbd: {  	s0 =	sadd.s32 $0x8F2B, s0  }
0xbe: {  	[sflag:s0] =	ssyncadd.remote.s32 $0x1  }
0xbf: {  	_ =	sfence.sel $0xFFFF  }
0xc0: {  	[dreg:$0x0] =	wrdreg $0xFFFFFFFF;
	(pc) =	sbr.abs _section_cstart, $3  }
0xc1: {  	[dreg:$0x1] =	wrdreg $0xFFFFFFFF  }
0xc2: {  	_ =	task.clear_ibuf [dreg:s7], $0x2FFFF;
	_ =	strace $0x9FFFFFFF  }
0xc3: {  	(tm) =	ssettm $0x7FFFFFFF  }
tec
execute0_lowered:
.L_overlay_start_1:
0x0: {  	(tag) =	ssettag $0x1  }
0x1: {  	s1 =	rddreg [dreg:$0x0]  }
0x2: {  	s6 =	rddreg [dreg:$0x1]  }
0x3: {  	s3 =	rddreg [dreg:$0x2]  }
0x4: {  	s0 =	rddreg [dreg:$0x3];
	s4 =	simm.s32 $0x0;
	s5 =	srdreg.scid  }
0x5: {  	s2 =	stileid.u32;
	s16 =	simm.s32 $0x80;
	s17 =	simm.s32 $0x3000  }
0x6: {  	s18 =	simm.s32 $0x7000;
	s19 =	simm.s32 $0x1;
	s20 =	simm.s32 $0x2  }
0x7: {  	s21 =	simm.s32 $0x3;
	s22 =	simm.s32 $0x4;
	[smem:$0x7FF] =	sst s4  }
0x8: {  	s7 =	sand.u32 $0x1, s5;
	s8 =	smul.u32 $0x2800, s2;
	s10 =	sadd.s32 $0xD000, s6  }
0x9: {  	s11 =	sadd.s32 $0x1E00, s6;
	s5 =	sadd.s32 $0x18000, s6;
	s12 =	sshll.u32 s2, $0x1  }
0xa: {  	s24 =	smul.u32 $0x50000, s2;
	s28 =	sshll.u32 s2, $0x6;
	_ =	strace $0x8000004A  }
0xb: {  	s9 =	smul.u32 $0x28000, s7;
	s23 =	ssub.s32 $0x2, s7;
	s7 =	sor.u32 s7, s12  }
0xc: {  	s13 =	sshrl.u32 s23, $0x1;
	s25 =	smul.u32 $0x2C00, s7;
	s26 =	sshrl.u32 s24, $0x2  }
0xd: {  	s29 =	smul.u32 $0x580, s7;
	s8 =	sadd.s32 s8, s9;
	s13 =	ssub.s32 s23, s13  }
0xe: {  	s15 =	sadd.s32 s26, s3;
	s23 =	simm.s32 $0x0;
	s14 =	sadd.s32 s8, s6  }
0xf: {  	s6 =	sor.u32 $0x1C05, s28;
	s30 =	sshrl.u32 s25, $0x3;
	s7 =	sadd.s32 s10, s29  }
0x10: {  	s8 =	sadd.s32 s11, s29;
	s12 =	smax.u32 s13, $0x1;
	s31 =	sadd.s32 $0x300, s30  }
0x11: {  	s13 =	sshrl.u32 s15, $0x3;
	s15 =	simm.s32 $0x1800;
	s9 =	sadd.s32 s10, s31  }
0x12: {  	s10 =	sadd.s32 s11, s31;
	s11 =	sadd.s32 $0x1A800, s14;
	s14 =	simm.s32 $0x5  }
.LBB2_1:
0x13: {  	[spmem:s13], [sflag:s6] =	dma.local [hbm:s5], $0x2800  }
0x14: {  	_ =	swait.ge [sflag:s14], $0x2800  }
0x15: {  	[sflag:s14] =	ssyncset.done $0x0  }
0x16: {  	[sflag:s14] =	ssyncadd.s32 $0xFFFFD800  }
0x17: {  	[bflag:$0x0] =	sbarrier.arrive $0xFFFF  }
0x18: {  	[tilespmem:s4], [sflag:$0x5] =	stream.linear.gather [hbm4b:s7+s4], $0x1800, $0x38;
	[tilespmem:$0x1F000] =	vst v63  }
0x19: {  	_ =	swait.ge [sflag:s14], $0x1800  }
0x1a: {  	[sflag:s14] =	ssyncset.done $0x0  }
0x1b: {  	[sflag:s14] =	ssyncadd.s32 $0xFFFFE800  }
0x1c: {  	[tilespmem:s15], [sflag:$0x5] =	stream.linear.gather [hbm4b:s8+s4], $0x1800, $0x38;
	[tilespmem:$0x1F000] =	vst v63  }
0x1d: {  	_ =	swait.ge [sflag:s14], $0x1800  }
0x1e: {  	[sflag:s14] =	ssyncset.done $0x0  }
0x1f: {  	s24 =	simm.s32 $0x0;
	[sflag:s14] =	ssyncadd.s32 $0xFFFFE800  }
0x20: {  	[tilespmem:s17], [sflag:$0x1] =	stream.indirect.gather [hbm4b:s1+s16], $0x80, s24, s16, $0xb8;
	[tilespmem:$0x1F000] =	vst v63  }
0x21: {  	s29 =	simm.s32 $0x80  }
0x22: {  	[tilespmem:s18], [sflag:$0x2] =	stream.indirect.gather [hbm4b:s1+s16], $0x80, s29, s16, $0xb8;
	[tilespmem:$0x1F000] =	vst v63  }
0x23: {  	_ =	swait.ge [sflag:s19], $0x4000  }
0x24: {  	[sflag:s19] =	ssyncset.done $0x0  }
0x25: {  	s30 =	simm.s32 $0x1800;
	[sflag:s19] =	ssyncadd.s32 $0xFFFFC000  }
0x26: {  	[spmem:s3] =	stream.indirect.scatter.add.f32 [tilespmem:s17], [sflag:$0x3], $0x80, s30, s16, $0xb8;
	[tilespmem:$0x1F000] =	vst v63  }
0x27: {  	_ =	swait.ge [sflag:s20], $0x4000  }
0x28: {  	[sflag:s20] =	ssyncset.done $0x0  }
0x29: {  	s31 =	simm.s32 $0x1880;
	[sflag:s20] =	ssyncadd.s32 $0xFFFFC000  }
0x2a: {  	[spmem:s3] =	stream.indirect.scatter.add.f32 [tilespmem:s18], [sflag:$0x4], $0x80, s31, s16, $0xb8;
	[tilespmem:$0x1F000] =	vst v63  }
0x2b: {  	_ =	swait.ge [sflag:s21], $0x4000  }
0x2c: {  	[sflag:s21] =	ssyncset.done $0x0  }
0x2d: {  	[sflag:s21] =	ssyncadd.s32 $0xFFFFC000  }
0x2e: {  	_ =	swait.ge [sflag:s22], $0x4000  }
0x2f: {  	s25 =	simm.s32 $0x800;
	s24 =	simm.s32 $0x400;
	[sflag:s22] =	ssyncset.done $0x0  }
.LBB2_2:
0x30: {  	s26 =	sshra.s32 s24, $0x2  }
0x31: {  	[sflag:s22] =	ssyncadd.s32 $0xFFFFC000;
	s24 =	smov.u32 s25;
	s28 =	sadd.s32 $0x400, s25  }
0x32: {  	[tilespmem:s17], [sflag:$0x1] =	stream.indirect.gather [hbm4b:s1+s16], $0x80, s26, s16, $0xb8;
	[tilespmem:$0x1F000] =	vst v63  }
0x33: {  	p0 =	sne.s32 s25, $0x5C00;
	s25 =	sadd.s32 $0x80, s26  }
0x34: {  	[tilespmem:s18], [sflag:$0x2] =	stream.indirect.gather [hbm4b:s1+s16], $0x80, s25, s16, $0xb8;
	[tilespmem:$0x1F000] =	vst v63  }
0x35: {  	_ =	swait.ge [sflag:s19], $0x4000  }
0x36: {  	[sflag:s19] =	ssyncset.done $0x0  }
0x37: {  	s25 =	sadd.s32 $0x1800, s26;
	[sflag:s19] =	ssyncadd.s32 $0xFFFFC000  }
0x38: {  	[spmem:s3] =	stream.indirect.scatter.add.f32 [tilespmem:s17], [sflag:$0x3], $0x80, s25, s16, $0xb8;
	[tilespmem:$0x1F000] =	vst v63  }
0x39: {  	_ =	swait.ge [sflag:s20], $0x4000  }
0x3a: {  	[sflag:s20] =	ssyncset.done $0x0  }
0x3b: {  	s25 =	sadd.s32 $0x1880, s26;
	[sflag:s20] =	ssyncadd.s32 $0xFFFFC000  }
0x3c: {  	[spmem:s3] =	stream.indirect.scatter.add.f32 [tilespmem:s18], [sflag:$0x4], $0x80, s25, s16, $0xb8;
	[tilespmem:$0x1F000] =	vst v63  }
.Ltmp0:
0x3d: {  	_ =	swait.ge [sflag:s21], $0x4000;
	(pc) =	sbr.rel @p0 .LBB2_2-.Ltmp0, $4  }
0x3e: {  	[sflag:s21] =	ssyncset.done $0x0  }
0x3f: {  	[sflag:s21] =	ssyncadd.s32 $0xFFFFC000  }
0x40: {  	_ =	swait.ge [sflag:s22], $0x4000  }
0x41: {  	s25 =	smov.u32 s28;
	[sflag:s22] =	ssyncset.done $0x0  }
0x42: {  	s24 =	sshra.s32 s24, $0x2;
	[sflag:s22] =	ssyncadd.s32 $0xFFFFC000  }
0x43: {  	[tilespmem:s17], [sflag:$0x1] =	stream.indirect.gather [hbm4b:s1+s16], $0x80, s24, s16, $0xb8;
	[tilespmem:$0x1F000] =	vst v63  }
0x44: {  	s25 =	sadd.s32 $0x80, s24  }
0x45: {  	[tilespmem:s18], [sflag:$0x2] =	stream.indirect.gather [hbm4b:s1+s16], $0x80, s25, s16, $0xb8;
	[tilespmem:$0x1F000] =	vst v63  }
0x46: {  	_ =	swait.ge [sflag:s19], $0x4000  }
0x47: {  	[sflag:s19] =	ssyncset.done $0x0  }
0x48: {  	s31 =	sadd.s32 $0x1800, s24;
	[sflag:s19] =	ssyncadd.s32 $0xFFFFC000  }
0x49: {  	[spmem:s3] =	stream.indirect.scatter.add.f32 [tilespmem:s17], [sflag:$0x3], $0x80, s31, s16, $0xb8;
	[tilespmem:$0x1F000] =	vst v63  }
0x4a: {  	_ =	swait.ge [sflag:s20], $0x4000  }
0x4b: {  	[sflag:s20] =	ssyncset.done $0x0  }
0x4c: {  	s24 =	sadd.s32 $0x1880, s24;
	[sflag:s20] =	ssyncadd.s32 $0xFFFFC000  }
0x4d: {  	[spmem:s3] =	stream.indirect.scatter.add.f32 [tilespmem:s18], [sflag:$0x4], $0x80, s24, s16, $0xb8;
	[tilespmem:$0x1F000] =	vst v63  }
0x4e: {  	_ =	swait.ge [sflag:s21], $0x4000  }
0x4f: {  	[sflag:s21] =	ssyncset.done $0x0  }
0x50: {  	[sflag:s21] =	ssyncadd.s32 $0xFFFFC000  }
0x51: {  	_ =	swait.ge [sflag:s22], $0x4000  }
0x52: {  	[sflag:s22] =	ssyncset.done $0x0  }
0x53: {  	s26 =	simm.s32 $0x0;
	[sflag:s22] =	ssyncadd.s32 $0xFFFFC000  }
0x54: {  	[tilespmem:s26], [sflag:$0x5] =	stream.linear.gather [hbm4b:s9+s26], $0x1400, $0x38;
	[tilespmem:$0x1F000] =	vst v63  }
0x55: {  	_ =	swait.ge [sflag:s14], $0x1400  }
0x56: {  	[sflag:s14] =	ssyncset.done $0x0  }
0x57: {  	[sflag:s14] =	ssyncadd.s32 $0xFFFFEC00  }
0x58: {  	[tilespmem:s15], [sflag:$0x5] =	stream.linear.gather [hbm4b:s10+s26], $0x1400, $0x38;
	[tilespmem:$0x1F000] =	vst v63  }
0x59: {  	_ =	swait.ge [sflag:s14], $0x1400  }
0x5a: {  	[sflag:s14] =	ssyncset.done $0x0  }
0x5b: {  	s28 =	simm.s32 $0x0;
	[sflag:s14] =	ssyncadd.s32 $0xFFFFEC00  }
0x5c: {  	[tilespmem:s17], [sflag:$0x1] =	stream.indirect.gather [hbm4b:s1+s16], $0x80, s28, s16, $0xb8;
	[tilespmem:$0x1F000] =	vst v63  }
0x5d: {  	s29 =	simm.s32 $0x80  }
0x5e: {  	[tilespmem:s18], [sflag:$0x2] =	stream.indirect.gather [hbm4b:s1+s16], $0x80, s29, s16, $0xb8;
	[tilespmem:$0x1F000] =	vst v63  }
0x5f: {  	_ =	swait.ge [sflag:s19], $0x4000  }
0x60: {  	[sflag:s19] =	ssyncset.done $0x0  }
0x61: {  	s30 =	simm.s32 $0x1800;
	[sflag:s19] =	ssyncadd.s32 $0xFFFFC000  }
0x62: {  	[spmem:s3] =	stream.indirect.scatter.add.f32 [tilespmem:s17], [sflag:$0x3], $0x80, s30, s16, $0xb8;
	[tilespmem:$0x1F000] =	vst v63  }
0x63: {  	_ =	swait.ge [sflag:s20], $0x4000  }
0x64: {  	[sflag:s20] =	ssyncset.done $0x0  }
0x65: {  	s31 =	simm.s32 $0x1880;
	[sflag:s20] =	ssyncadd.s32 $0xFFFFC000  }
0x66: {  	[spmem:s3] =	stream.indirect.scatter.add.f32 [tilespmem:s18], [sflag:$0x4], $0x80, s31, s16, $0xb8;
	[tilespmem:$0x1F000] =	vst v63  }
0x67: {  	_ =	swait.ge [sflag:s21], $0x4000  }
0x68: {  	[sflag:s21] =	ssyncset.done $0x0  }
0x69: {  	[sflag:s21] =	ssyncadd.s32 $0xFFFFC000  }
0x6a: {  	_ =	swait.ge [sflag:s22], $0x4000  }
0x6b: {  	s25 =	simm.s32 $0x800;
	s24 =	simm.s32 $0x400;
	[sflag:s22] =	ssyncset.done $0x0  }
.LBB2_4:
0x6c: {  	s26 =	sshra.s32 s24, $0x2  }
0x6d: {  	[sflag:s22] =	ssyncadd.s32 $0xFFFFC000;
	s24 =	smov.u32 s25;
	s28 =	sadd.s32 $0x400, s25  }
0x6e: {  	[tilespmem:s17], [sflag:$0x1] =	stream.indirect.gather [hbm4b:s1+s16], $0x80, s26, s16, $0xb8;
	[tilespmem:$0x1F000] =	vst v63  }
0x6f: {  	p0 =	sne.s32 s25, $0x4000;
	s25 =	sadd.s32 $0x80, s26  }
0x70: {  	[tilespmem:s18], [sflag:$0x2] =	stream.indirect.gather [hbm4b:s1+s16], $0x80, s25, s16, $0xb8;
	[tilespmem:$0x1F000] =	vst v63  }
0x71: {  	_ =	swait.ge [sflag:s19], $0x4000  }
0x72: {  	[sflag:s19] =	ssyncset.done $0x0  }
0x73: {  	s25 =	sadd.s32 $0x1800, s26;
	[sflag:s19] =	ssyncadd.s32 $0xFFFFC000  }
0x74: {  	[spmem:s3] =	stream.indirect.scatter.add.f32 [tilespmem:s17], [sflag:$0x3], $0x80, s25, s16, $0xb8;
	[tilespmem:$0x1F000] =	vst v63  }
0x75: {  	_ =	swait.ge [sflag:s20], $0x4000  }
0x76: {  	[sflag:s20] =	ssyncset.done $0x0  }
0x77: {  	s25 =	sadd.s32 $0x1880, s26;
	[sflag:s20] =	ssyncadd.s32 $0xFFFFC000  }
0x78: {  	[spmem:s3] =	stream.indirect.scatter.add.f32 [tilespmem:s18], [sflag:$0x4], $0x80, s25, s16, $0xb8;
	[tilespmem:$0x1F000] =	vst v63  }
.Ltmp1:
0x79: {  	_ =	swait.ge [sflag:s21], $0x4000;
	(pc) =	sbr.rel @p0 .LBB2_4-.Ltmp1, $4  }
0x7a: {  	[sflag:s21] =	ssyncset.done $0x0  }
0x7b: {  	[sflag:s21] =	ssyncadd.s32 $0xFFFFC000  }
0x7c: {  	_ =	swait.ge [sflag:s22], $0x4000  }
0x7d: {  	s25 =	smov.u32 s28;
	[sflag:s22] =	ssyncset.done $0x0  }
0x7e: {  	s24 =	sshra.s32 s24, $0x2;
	[sflag:s22] =	ssyncadd.s32 $0xFFFFC000  }
0x7f: {  	[tilespmem:s17], [sflag:$0x1] =	stream.indirect.gather [hbm4b:s1+s16], $0x80, s24, s16, $0xb8;
	[tilespmem:$0x1F000] =	vst v63  }
0x80: {  	s25 =	sadd.s32 $0x80, s24  }
0x81: {  	[tilespmem:s18], [sflag:$0x2] =	stream.indirect.gather [hbm4b:s1+s16], $0x80, s25, s16, $0xb8;
	[tilespmem:$0x1F000] =	vst v63  }
0x82: {  	_ =	swait.ge [sflag:s19], $0x4000  }
0x83: {  	[sflag:s19] =	ssyncset.done $0x0  }
0x84: {  	s31 =	sadd.s32 $0x1800, s24;
	[sflag:s19] =	ssyncadd.s32 $0xFFFFC000  }
0x85: {  	[spmem:s3] =	stream.indirect.scatter.add.f32 [tilespmem:s17], [sflag:$0x3], $0x80, s31, s16, $0xb8;
	[tilespmem:$0x1F000] =	vst v63  }
0x86: {  	_ =	swait.ge [sflag:s20], $0x4000  }
0x87: {  	[sflag:s20] =	ssyncset.done $0x0  }
0x88: {  	s24 =	sadd.s32 $0x1880, s24;
	[sflag:s20] =	ssyncadd.s32 $0xFFFFC000  }
0x89: {  	[spmem:s3] =	stream.indirect.scatter.add.f32 [tilespmem:s18], [sflag:$0x4], $0x80, s24, s16, $0xb8;
	[tilespmem:$0x1F000] =	vst v63  }
0x8a: {  	_ =	swait.ge [sflag:s21], $0x4000  }
0x8b: {  	[sflag:s21] =	ssyncset.done $0x0  }
0x8c: {  	[sflag:s21] =	ssyncadd.s32 $0xFFFFC000  }
0x8d: {  	_ =	swait.ge [sflag:s22], $0x4000  }
0x8e: {  	s23 =	sadd.s32 $0x1, s23;
	[sflag:s22] =	ssyncset.done $0x0  }
0x8f: {  	p0 =	sne.s32 s23, s12;
	[sflag:s22] =	ssyncadd.s32 $0xFFFFC000  }
.Ltmp2:
0x90: {  	[bflag:$0x0] =	sbarrier.arrive $0xFFFF;
	(pc) =	sbr.rel @p0 .LBB2_1-.Ltmp2, $4  }
0x91: {  	[hbm:s11], [sflag:s6] =	dma.local [spmem:s13], $0x2800  }
0x92: {  	_ =	swait.ge [sflag:s14], $0x2800  }
0x93: {  	[sflag:s14] =	ssyncset.done $0x0  }
0x94: {  	[sflag:s14] =	ssyncadd.s32 $0xFFFFD800  }
0x95: {  	_ =	sfence.sel $0x180000  }
0x96: {  	[bflag:$0x0] =	sbarrier.arrive $0xFFFF  }
0x97: {  	p0 =	sne.s32 s2, $0x0;
	_ =	strace $0x9000004A  }
0x98: {  	s0 =	sadd.s32 @!p0 $0x100000, s0;
	[bflag:$0x2] =	sbarrier.arrive $0xFFFF  }
0x99: {  	[sflag:s0] =	ssyncadd.tile.s32 @!p0 $0x1;
	_ =	shalt  }
.Lfunc_end2:
_tile_overlayer_lowered:
.L_overlay_start_2:
0x9a: {  	(tag) =	ssettag $0x2  }
0x9b: {  	s0 =	rddreg [dreg:$0x0];
	s2 =	stileid.u32  }
0x9c: {  	s1 =	rddreg [dreg:$0x1];
	p0 =	sne.s32 s2, $0x0  }
0x9d: {  	s3 =	rddreg [dreg:$0x2];
	[bflag:$0x3] =	sbarrier.arrive $0xFFFF;
	s2 =	simm.s32 @!p0 $0x1C05  }
0x9e: {  	[timem:s3], [sflag:s2] =	dma.local @!p0 [hbm:s0], s1  }
0x9f: {  	s0 =	simm.s32 @!p0 $0x5  }
0xa0: {  	_ =	swait.ge @!p0 [sflag:s0], s1  }
0xa1: {  	s1 =	ssub.s32 @!p0 $0x0, s1;
	[sflag:s0] =	ssyncset.done @!p0 $0x0  }
0xa2: {  	[sflag:s0] =	ssyncadd.s32 @!p0 s1  }
0xa3: {  	[bflag:$0x3] =	sbarrier.arrive $0xFFFF  }
0xa4: {  	_ =	shalt  }

// kernel: kernel.15.cloned.1.call-start
scs
__scs_entry_jumppad:
0x0: {  	(pc) =	sbr.rel $0x88, $3  }
0x1: {  	(tag) =	ssettag $0x0;
	lr =	simm.s32 $0x1  }
0x2: {  	[smem:$0x3F9B] =	sst lr;
	_ =	strace $0xD0000000  }
0x3: {  	_ = 	snop  }
0x4: {  	_ = 	snop  }
0x5: {  	_ = 	snop  }
0x6: {  	_ = 	snop  }
0x7: {  	_ = 	snop  }
__scs_overlays_trampoline_lowered:
0x8: {  	[smem:$0x3FAA] =	sst s0  }
0x9: {  	[smem:$0x3FAB] =	sst s1  }
0xa: {  	[smem:$0x3FAC] =	sst s2  }
0xb: {  	[smem:$0x3FAD] =	sst s3  }
0xc: {  	[smem:$0x3FAE] =	sst s4  }
0xd: {  	[smem:$0x3FAF] =	sst s5  }
0xe: {  	[smem:$0x3FB0] =	sst s6  }
0xf: {  	[smem:$0x3FB1] =	sst s7  }
0x10: {  	[smem:$0x3FB2] =	sst s8  }
0x11: {  	[smem:$0x3FB3] =	sst s9;
	s0 =	simm.s32 @!p0 $0x0  }
0x12: {  	s1 =	sld [smem:$0x3F99];
	s0 =	simm.s32 @p0 $0x1  }
0x13: {  	[smem:$0x3FB4] =	sst s0;
	s0 =	simm.s32 @!p1 $0x0  }
0x14: {  	s2 =	sld [smem:$0x3F98];
	s0 =	simm.s32 @p1 $0x1  }
0x15: {  	[smem:$0x3FB5] =	sst s0;
	s0 =	simm.s32 @!p2 $0x0  }
0x16: {  	s3 =	sld [smem:$0x3FDB];
	s0 =	simm.s32 @p2 $0x1  }
0x17: {  	s4 =	simm.s32 $0x1BF5;
	[smem:$0x3FB7] =	sst s0  }
0x18: {  	s0 =	sld [smem:$0x3F9A];
	_ =	swait.ge [sflag:s4], $0x0  }
0x19: {  	s7 =	sld [smem:$0x3F9B]  }
0x1a: {  	s8 =	sadd.s32 $0xFFFFE003, lr  }
0x1b: {  	s9 =	sadd.s32 $0xFFFFFEF7, lr;
	s5 =	simm.s32 $0xFFFFFFFF;
	p2 =	slt.u32 s8, $0xFFFFF086  }
0x1c: {  	p1 =	slt.u32 s9, $0xF7A;
	s5 =	simm.s32 @!p2 $0x0  }
0x1d: {  	s5 =	simm.s32 @p1 $0x1;
	p0 =	seq.s32 s7, s2  }
0x1e: {  	s7 =	smul.u32 @!p0 $0xF7A, s2;
	p2 =	seq.s32 @!p0 s5, $0x0  }
0x1f: {  	s9 =	smul.u32 $0xF7A, s1;
	s8 =	simm.s32 @!p0 $0x1BF5;
	p2 =	por !p2, p0  }
0x20: {  	[sflag:s8] =	ssyncset.s32 @!p0 $0xFFFFF086;
	s6 =	sadd.s32 @!p0 s3, s7;
	s7 =	simm.s32 @!p0 $0x108  }
0x21: {  	s3 =	sadd.s32 s3, s9;
	s6 =	sadd.s32 @!p0 $0x88, s6;
	s7 =	simm.s32 @p2 $0x1082  }
0x22: {  	[simem:s7], [sflag:s8] =	dma.local @!p0 [hbm:s6], $0xF7A  }
0x23: {  	s9 =	sor.u32 $0xD0000000, s2;
	s6 =	simm.s32 $0x108;
	_ =	swait.ge @!p0 [sflag:s8], $0x0  }
0x24: {  	s3 =	sadd.s32 $0x88, s3;
	s6 =	simm.s32 @!p1 $0x1082;
	[sflag:s4] =	ssyncset.s32 $0xFFFFF086  }
0x25: {  	[simem:s6], [sflag:s4] =	dma.local [hbm:s3], $0xF7A  }
0x26: {  	[smem:$0x3F9B] =	sst s1;
	(tag) =	ssettag s2;
	_ =	strace s9  }
0x27: {  	s1 =	sld [smem:$0x3FAB]  }
0x28: {  	s2 =	sld [smem:$0x3FAC]  }
0x29: {  	s4 =	sld [smem:$0x3FAE]  }
0x2a: {  	p0 =	seq.s32 s5, $0x0;
	s5 =	sld [smem:$0x3FAF]  }
0x2b: {  	s6 =	sld [smem:$0x3FB0]  }
0x2c: {  	s7 =	sld [smem:$0x3FB1]  }
0x2d: {  	s3 =	simm.s32 $0x108;
	s8 =	sld [smem:$0x3FB2]  }
0x2e: {  	s3 =	simm.s32 @!p0 $0x1082;
	s9 =	sld [smem:$0x3FB3]  }
0x2f: {  	lr =	sadd.s32 s0, s3;
	s0 =	sld [smem:$0x3FAA]  }
0x30: {  	s3 =	sld [smem:$0x3FAD]  }
0x31: {  	[smem:$0x3FB6] =	sst s10  }
0x32: {  	s10 =	sld [smem:$0x3FB4];
	_ =	sdelay $0x3  }
0x33: {  	p0 =	seq.s32 s10, $0x1;
	s10 =	sld [smem:$0x3FB6];
	_ =	sdelay $0x3  }
0x34: {  	[smem:$0x3FB6] =	sst s10  }
0x35: {  	s10 =	sld [smem:$0x3FB5];
	_ =	sdelay $0x3  }
0x36: {  	p1 =	seq.s32 s10, $0x1;
	s10 =	sld [smem:$0x3FB6];
	_ =	sdelay $0x3  }
0x37: {  	[smem:$0x3FB6] =	sst s10  }
0x38: {  	s10 =	sld [smem:$0x3FB7]  }
0x39: {  	_ = 	snop;
	(pc) =	sbr.ind lr, $3  }
0x3a: {  	_ = 	snop  }
0x3b: {  	_ = 	snop  }
0x3c: {  	p2 =	seq.s32 s10, $0x1;
	s10 =	sld [smem:$0x3FB6]  }
0x3d: {  	_ =	shalt  }
0x3e: {  	_ =	shalt  }
0x3f: {  	_ =	shalt  }
0x40: {  	_ =	shalt  }
0x41: {  	_ =	shalt  }
0x42: {  	_ =	shalt  }
0x43: {  	_ =	shalt  }
0x44: {  	_ =	shalt  }
0x45: {  	_ =	shalt  }
0x46: {  	_ =	shalt  }
0x47: {  	_ =	shalt  }
0x48: {  	_ =	shalt  }
0x49: {  	_ =	shalt  }
0x4a: {  	_ =	shalt  }
0x4b: {  	_ =	shalt  }
0x4c: {  	_ =	shalt  }
0x4d: {  	_ =	shalt  }
0x4e: {  	_ =	shalt  }
0x4f: {  	_ =	shalt  }
0x50: {  	_ =	shalt  }
0x51: {  	_ =	shalt  }
0x52: {  	_ =	shalt  }
0x53: {  	_ =	shalt  }
0x54: {  	_ =	shalt  }
0x55: {  	_ =	shalt  }
0x56: {  	_ =	shalt  }
0x57: {  	_ =	shalt  }
0x58: {  	_ =	shalt  }
0x59: {  	_ =	shalt  }
0x5a: {  	_ =	shalt  }
0x5b: {  	_ =	shalt  }
0x5c: {  	_ =	shalt  }
0x5d: {  	_ =	shalt  }
0x5e: {  	_ =	shalt  }
0x5f: {  	_ =	shalt  }
0x60: {  	_ =	shalt  }
0x61: {  	_ =	shalt  }
0x62: {  	_ =	shalt  }
0x63: {  	_ =	shalt  }
0x64: {  	_ =	shalt  }
0x65: {  	_ =	shalt  }
0x66: {  	_ =	shalt  }
0x67: {  	_ =	shalt  }
0x68: {  	_ =	shalt  }
0x69: {  	_ =	shalt  }
0x6a: {  	_ =	shalt  }
0x6b: {  	_ =	shalt  }
0x6c: {  	_ =	shalt  }
0x6d: {  	_ =	shalt  }
0x6e: {  	_ =	shalt  }
0x6f: {  	_ =	shalt  }
0x70: {  	_ =	shalt  }
0x71: {  	_ =	shalt  }
0x72: {  	_ =	shalt  }
0x73: {  	_ =	shalt  }
0x74: {  	_ =	shalt  }
0x75: {  	_ =	shalt  }
0x76: {  	_ =	shalt  }
0x77: {  	_ =	shalt  }
0x78: {  	_ =	shalt  }
0x79: {  	_ =	shalt  }
0x7a: {  	_ =	shalt  }
0x7b: {  	_ =	shalt  }
0x7c: {  	_ =	shalt  }
0x7d: {  	_ =	shalt  }
0x7e: {  	_ =	shalt  }
0x7f: {  	_ =	shalt  }
0x80: {  	_ =	shalt  }
0x81: {  	_ =	shalt  }
0x82: {  	_ =	shalt  }
0x83: {  	_ =	shalt  }
0x84: {  	_ =	shalt  }
0x85: {  	_ =	shalt  }
0x86: {  	_ =	shalt  }
0x87: {  	_ =	shalt  }
.Lfunc_end0:
.L_simem_size_0:
called_computation.2_lowered:
.L_overlay_start_0:
0x88: {  	s2 =	sld [smem:$0x3FD9]  }
0x89: {  	s3 =	sld [smem:$0x3FFE];
	_ =	sdelay $0x1  }
0x8a: {  	s1 =	srdreg.scid  }
0x8b: {  	s0 =	sand.u32 $0x1, s1  }
0x8c: {  	s17 =	sshll.u32 s0, $0xA;
	s2 =	sadd.s32 s3, s2  }
0x8d: {  	s2 =	sadd.s32 s2, s17  }
0x8e: {  	[smem:$0x3FC2] =	sst s2  }
0x8f: {  	_ = 	snop  }
0x90: {  	s2 =	sld [smem:$0x3FD0];
	(tm) =	ssettm $0x1  }
0x91: {  	s18 =	sld [smem:$0x3FFB];
	_ =	sdelay $0x3  }
0x92: {  	_ =	strace s18  }
0x93: {  	s3 =	sld [smem:$0x3FFC];
	_ =	sdelay $0x3  }
0x94: {  	_ =	strace s3  }
0x95: {  	s3 =	sld [smem:$0x3FFD];
	_ =	sdelay $0x3  }
0x96: {  	_ =	strace s3  }
0x97: {  	_ =	strace $0x8FFFFFFF  }
0x98: {  	s19 =	sld [smem:$0x3FDB];
	_ =	sdelay $0x1  }
0x99: {  	s4 =	simm.s32 $_scs_section_size  }
0x9a: {  	s5 =	simm.s32 $_size__tile_overlayer_lowered;
	s6 =	simm.s32 $_tile_overlayer_lowered  }
0x9b: {  	s22 =	simm.s32 $0x1BFF;
	s21 =	sshll.u32 s6, $0x1;
	s3 =	sadd.s32 s4, s19  }
0x9c: {  	s7 =	simm.s32 $0x0;
	s20 =	sshll.u32 s5, $0x1;
	s5 =	sadd.s32 s21, s3  }
0x9d: {  	[timem:s7], [sflag:s22] =	dma.local [hbm:s5], s20  }
0x9e: {  	_ =	swait.ge [sflag:s22], s20  }
0x9f: {  	s4 =	ssub.s32 $0x0, s20;
	[sflag:s22] =	ssyncset.done $0x0  }
0xa0: {  	[sflag:s22] =	ssyncadd.s32 s4;
	_ =	sdelay $0x1  }
0xa1: {  	s23 =	simm.s32 $0x1B8B  }
0xa2: {  	_ =	swait.ge [sflag:s23], $0x1  }
0xa3: {  	[sflag:s23] =	ssyncset.done $0x0  }
0xa4: {  	s25 =	simm.s32 $0x1B8E;
	s24 =	sld [smem:$0x3FFE];
	[sflag:s23] =	ssyncadd.s32 $0xFFFFFFFF  }
0xa5: {  	s26 =	simm.s32 $execute0_lowered;
	[smem:$0x3FD2] =	sst s25  }
0xa6: {  	s5 =	sshll.u32 s26, $0x1;
	_ =	strace $0x8000004C;
	[dreg:$0x1] =	wrdreg $0xFFFFFFFF  }
0xa7: {  	s28 =	simm.s32 $_size_execute0_lowered;
	s3 =	sadd.s32 s3, s5;
	[dreg:$0x0] =	wrdreg $0x0  }
0xa8: {  	s5 =	sshll.u32 s28, $0x1;
	[dreg:$0x2] =	wrdreg s3  }
0xa9: {  	[dreg:$0x3] =	wrdreg s5  }
0xaa: {  	[dreg:$0x4] =	wrdreg $0xC0  }
0xab: {  	_ =	task [dreg:s7], $0x5FFFF  }
0xac: {  	[dreg:$0x1] =	wrdreg $0xFFFFFFFF  }
0xad: {  	[dreg:$0x0] =	wrdreg $0x60  }
0xae: {  	[dreg:$0x2] =	wrdreg s2  }
0xaf: {  	[dreg:$0x3] =	wrdreg s24  }
0xb0: {  	[dreg:$0x4] =	wrdreg $0xB0000  }
0xb1: {  	[dreg:$0x5] =	wrdreg $0x9  }
0xb2: {  	_ =	task.clear_ibuf [dreg:s7], $0x6FFFF;
	_ =	strace $0x9000004C  }
0xb3: {  	s29 =	simm.s32 $0x9;
	_ =	strace $0x8000004E  }
0xb4: {  	_ =	swait.ge [sflag:s29], $0x1  }
0xb5: {  	[sflag:s29] =	ssyncadd.s32 $0xFFFFFFFF  }
0xb6: {  	_ =	strace $0x9000004E  }
0xb7: {  	_ =	sfence  }
0xb8: {  	s30 =	sld [smem:$0x0];
	_ =	sdelay $0x2  }
0xb9: {  	s31 =	sshll.u32 s1, $0xD;
	s1 =	sshrl.u32 s1, $0x2  }
0xba: {  	s3 =	sand.u32 $0x4000, s31;
	s1 =	sadd.s32 s1, s30  }
0xbb: {  	s0 =	sor.u32 s3, s0;
	s1 =	sshll.u32 s1, $0x11  }
0xbc: {  	s0 =	sor.u32 s1, s0  }
0xbd: {  	s0 =	sadd.s32 $0x8F2B, s0  }
0xbe: {  	[sflag:s0] =	ssyncadd.remote.s32 $0x1  }
0xbf: {  	_ =	sfence.sel $0xFFFF  }
0xc0: {  	[dreg:$0x0] =	wrdreg $0xFFFFFFFF;
	(pc) =	sbr.abs _section_cstart, $3  }
0xc1: {  	[dreg:$0x1] =	wrdreg $0xFFFFFFFF  }
0xc2: {  	_ =	task.clear_ibuf [dreg:s7], $0x2FFFF;
	_ =	strace $0x9FFFFFFF  }
0xc3: {  	(tm) =	ssettm $0x7FFFFFFF  }
tec
execute0_lowered:
.L_overlay_start_1:
0x0: {  	(tag) =	ssettag $0x1  }
0x1: {  	s1 =	rddreg [dreg:$0x0]  }
0x2: {  	s6 =	rddreg [dreg:$0x1]  }
0x3: {  	s3 =	rddreg [dreg:$0x2]  }
0x4: {  	s0 =	rddreg [dreg:$0x3];
	s4 =	simm.s32 $0x0;
	s5 =	srdreg.scid  }
0x5: {  	s2 =	stileid.u32;
	s16 =	simm.s32 $0x80;
	s17 =	simm.s32 $0x3000  }
0x6: {  	s18 =	simm.s32 $0x7000;
	s19 =	simm.s32 $0x1;
	s20 =	simm.s32 $0x2  }
0x7: {  	s21 =	simm.s32 $0x3;
	s22 =	simm.s32 $0x4;
	[smem:$0x7FF] =	sst s4  }
0x8: {  	s7 =	sand.u32 $0x1, s5;
	s8 =	smul.u32 $0x2800, s2;
	s10 =	sadd.s32 $0xD000, s6  }
0x9: {  	s11 =	sadd.s32 $0x1E00, s6;
	s5 =	sadd.s32 $0x18000, s6;
	s12 =	sshll.u32 s2, $0x1  }
0xa: {  	s24 =	smul.u32 $0x50000, s2;
	s28 =	sshll.u32 s2, $0x6;
	_ =	strace $0x8000004D  }
0xb: {  	s9 =	smul.u32 $0x28000, s7;
	s23 =	ssub.s32 $0x2, s7;
	s7 =	sor.u32 s7, s12  }
0xc: {  	s13 =	sshrl.u32 s23, $0x1;
	s25 =	smul.u32 $0x2C00, s7;
	s26 =	sshrl.u32 s24, $0x2  }
0xd: {  	s29 =	smul.u32 $0x580, s7;
	s8 =	sadd.s32 s8, s9;
	s13 =	ssub.s32 s23, s13  }
0xe: {  	s15 =	sadd.s32 s26, s3;
	s23 =	simm.s32 $0x0;
	s14 =	sadd.s32 s8, s6  }
0xf: {  	s6 =	sor.u32 $0x1C05, s28;
	s30 =	sshrl.u32 s25, $0x3;
	s7 =	sadd.s32 s10, s29  }
0x10: {  	s8 =	sadd.s32 s11, s29;
	s12 =	smax.u32 s13, $0x1;
	s31 =	sadd.s32 $0x300, s30  }
0x11: {  	s13 =	sshrl.u32 s15, $0x3;
	s15 =	simm.s32 $0x1800;
	s9 =	sadd.s32 s10, s31  }
0x12: {  	s10 =	sadd.s32 s11, s31;
	s11 =	sadd.s32 $0x1A800, s14;
	s14 =	simm.s32 $0x5  }
.LBB2_1:
0x13: {  	[spmem:s13], [sflag:s6] =	dma.local [hbm:s5], $0x2800  }
0x14: {  	_ =	swait.ge [sflag:s14], $0x2800  }
0x15: {  	[sflag:s14] =	ssyncset.done $0x0  }
0x16: {  	[sflag:s14] =	ssyncadd.s32 $0xFFFFD800  }
0x17: {  	[bflag:$0x0] =	sbarrier.arrive $0xFFFF  }
0x18: {  	[tilespmem:s4], [sflag:$0x5] =	stream.linear.gather [hbm4b:s7+s4], $0x1800, $0x38;
	[tilespmem:$0x1F000] =	vst v63  }
0x19: {  	_ =	swait.ge [sflag:s14], $0x1800  }
0x1a: {  	[sflag:s14] =	ssyncset.done $0x0  }
0x1b: {  	[sflag:s14] =	ssyncadd.s32 $0xFFFFE800  }
0x1c: {  	[tilespmem:s15], [sflag:$0x5] =	stream.linear.gather [hbm4b:s8+s4], $0x1800, $0x38;
	[tilespmem:$0x1F000] =	vst v63  }
0x1d: {  	_ =	swait.ge [sflag:s14], $0x1800  }
0x1e: {  	[sflag:s14] =	ssyncset.done $0x0  }
0x1f: {  	s24 =	simm.s32 $0x0;
	[sflag:s14] =	ssyncadd.s32 $0xFFFFE800  }
0x20: {  	[tilespmem:s17], [sflag:$0x1] =	stream.indirect.gather [hbm4b:s1+s16], $0x80, s24, s16, $0xb8;
	[tilespmem:$0x1F000] =	vst v63  }
0x21: {  	s29 =	simm.s32 $0x80  }
0x22: {  	[tilespmem:s18], [sflag:$0x2] =	stream.indirect.gather [hbm4b:s1+s16], $0x80, s29, s16, $0xb8;
	[tilespmem:$0x1F000] =	vst v63  }
0x23: {  	_ =	swait.ge [sflag:s19], $0x4000  }
0x24: {  	[sflag:s19] =	ssyncset.done $0x0  }
0x25: {  	s30 =	simm.s32 $0x1800;
	[sflag:s19] =	ssyncadd.s32 $0xFFFFC000  }
0x26: {  	[spmem:s3] =	stream.indirect.scatter.add.f32 [tilespmem:s17], [sflag:$0x3], $0x80, s30, s16, $0xb8;
	[tilespmem:$0x1F000] =	vst v63  }
0x27: {  	_ =	swait.ge [sflag:s20], $0x4000  }
0x28: {  	[sflag:s20] =	ssyncset.done $0x0  }
0x29: {  	s31 =	simm.s32 $0x1880;
	[sflag:s20] =	ssyncadd.s32 $0xFFFFC000  }
0x2a: {  	[spmem:s3] =	stream.indirect.scatter.add.f32 [tilespmem:s18], [sflag:$0x4], $0x80, s31, s16, $0xb8;
	[tilespmem:$0x1F000] =	vst v63  }
0x2b: {  	_ =	swait.ge [sflag:s21], $0x4000  }
0x2c: {  	[sflag:s21] =	ssyncset.done $0x0  }
0x2d: {  	[sflag:s21] =	ssyncadd.s32 $0xFFFFC000  }
0x2e: {  	_ =	swait.ge [sflag:s22], $0x4000  }
0x2f: {  	s25 =	simm.s32 $0x800;
	s24 =	simm.s32 $0x400;
	[sflag:s22] =	ssyncset.done $0x0  }
.LBB2_2:
0x30: {  	s26 =	sshra.s32 s24, $0x2  }
0x31: {  	[sflag:s22] =	ssyncadd.s32 $0xFFFFC000;
	s24 =	smov.u32 s25;
	s28 =	sadd.s32 $0x400, s25  }
0x32: {  	[tilespmem:s17], [sflag:$0x1] =	stream.indirect.gather [hbm4b:s1+s16], $0x80, s26, s16, $0xb8;
	[tilespmem:$0x1F000] =	vst v63  }
0x33: {  	p0 =	sne.s32 s25, $0x5C00;
	s25 =	sadd.s32 $0x80, s26  }
0x34: {  	[tilespmem:s18], [sflag:$0x2] =	stream.indirect.gather [hbm4b:s1+s16], $0x80, s25, s16, $0xb8;
	[tilespmem:$0x1F000] =	vst v63  }
0x35: {  	_ =	swait.ge [sflag:s19], $0x4000  }
0x36: {  	[sflag:s19] =	ssyncset.done $0x0  }
0x37: {  	s25 =	sadd.s32 $0x1800, s26;
	[sflag:s19] =	ssyncadd.s32 $0xFFFFC000  }
0x38: {  	[spmem:s3] =	stream.indirect.scatter.add.f32 [tilespmem:s17], [sflag:$0x3], $0x80, s25, s16, $0xb8;
	[tilespmem:$0x1F000] =	vst v63  }
0x39: {  	_ =	swait.ge [sflag:s20], $0x4000  }
0x3a: {  	[sflag:s20] =	ssyncset.done $0x0  }
0x3b: {  	s25 =	sadd.s32 $0x1880, s26;
	[sflag:s20] =	ssyncadd.s32 $0xFFFFC000  }
0x3c: {  	[spmem:s3] =	stream.indirect.scatter.add.f32 [tilespmem:s18], [sflag:$0x4], $0x80, s25, s16, $0xb8;
	[tilespmem:$0x1F000] =	vst v63  }
.Ltmp0:
0x3d: {  	_ =	swait.ge [sflag:s21], $0x4000;
	(pc) =	sbr.rel @p0 .LBB2_2-.Ltmp0, $4  }
0x3e: {  	[sflag:s21] =	ssyncset.done $0x0  }
0x3f: {  	[sflag:s21] =	ssyncadd.s32 $0xFFFFC000  }
0x40: {  	_ =	swait.ge [sflag:s22], $0x4000  }
0x41: {  	s25 =	smov.u32 s28;
	[sflag:s22] =	ssyncset.done $0x0  }
0x42: {  	s24 =	sshra.s32 s24, $0x2;
	[sflag:s22] =	ssyncadd.s32 $0xFFFFC000  }
0x43: {  	[tilespmem:s17], [sflag:$0x1] =	stream.indirect.gather [hbm4b:s1+s16], $0x80, s24, s16, $0xb8;
	[tilespmem:$0x1F000] =	vst v63  }
0x44: {  	s25 =	sadd.s32 $0x80, s24  }
0x45: {  	[tilespmem:s18], [sflag:$0x2] =	stream.indirect.gather [hbm4b:s1+s16], $0x80, s25, s16, $0xb8;
	[tilespmem:$0x1F000] =	vst v63  }
0x46: {  	_ =	swait.ge [sflag:s19], $0x4000  }
0x47: {  	[sflag:s19] =	ssyncset.done $0x0  }
0x48: {  	s31 =	sadd.s32 $0x1800, s24;
	[sflag:s19] =	ssyncadd.s32 $0xFFFFC000  }
0x49: {  	[spmem:s3] =	stream.indirect.scatter.add.f32 [tilespmem:s17], [sflag:$0x3], $0x80, s31, s16, $0xb8;
	[tilespmem:$0x1F000] =	vst v63  }
0x4a: {  	_ =	swait.ge [sflag:s20], $0x4000  }
0x4b: {  	[sflag:s20] =	ssyncset.done $0x0  }
0x4c: {  	s24 =	sadd.s32 $0x1880, s24;
	[sflag:s20] =	ssyncadd.s32 $0xFFFFC000  }
0x4d: {  	[spmem:s3] =	stream.indirect.scatter.add.f32 [tilespmem:s18], [sflag:$0x4], $0x80, s24, s16, $0xb8;
	[tilespmem:$0x1F000] =	vst v63  }
0x4e: {  	_ =	swait.ge [sflag:s21], $0x4000  }
0x4f: {  	[sflag:s21] =	ssyncset.done $0x0  }
0x50: {  	[sflag:s21] =	ssyncadd.s32 $0xFFFFC000  }
0x51: {  	_ =	swait.ge [sflag:s22], $0x4000  }
0x52: {  	[sflag:s22] =	ssyncset.done $0x0  }
0x53: {  	s26 =	simm.s32 $0x0;
	[sflag:s22] =	ssyncadd.s32 $0xFFFFC000  }
0x54: {  	[tilespmem:s26], [sflag:$0x5] =	stream.linear.gather [hbm4b:s9+s26], $0x1400, $0x38;
	[tilespmem:$0x1F000] =	vst v63  }
0x55: {  	_ =	swait.ge [sflag:s14], $0x1400  }
0x56: {  	[sflag:s14] =	ssyncset.done $0x0  }
0x57: {  	[sflag:s14] =	ssyncadd.s32 $0xFFFFEC00  }
0x58: {  	[tilespmem:s15], [sflag:$0x5] =	stream.linear.gather [hbm4b:s10+s26], $0x1400, $0x38;
	[tilespmem:$0x1F000] =	vst v63  }
0x59: {  	_ =	swait.ge [sflag:s14], $0x1400  }
0x5a: {  	[sflag:s14] =	ssyncset.done $0x0  }
0x5b: {  	s28 =	simm.s32 $0x0;
	[sflag:s14] =	ssyncadd.s32 $0xFFFFEC00  }
0x5c: {  	[tilespmem:s17], [sflag:$0x1] =	stream.indirect.gather [hbm4b:s1+s16], $0x80, s28, s16, $0xb8;
	[tilespmem:$0x1F000] =	vst v63  }
0x5d: {  	s29 =	simm.s32 $0x80  }
0x5e: {  	[tilespmem:s18], [sflag:$0x2] =	stream.indirect.gather [hbm4b:s1+s16], $0x80, s29, s16, $0xb8;
	[tilespmem:$0x1F000] =	vst v63  }
0x5f: {  	_ =	swait.ge [sflag:s19], $0x4000  }
0x60: {  	[sflag:s19] =	ssyncset.done $0x0  }
0x61: {  	s30 =	simm.s32 $0x1800;
	[sflag:s19] =	ssyncadd.s32 $0xFFFFC000  }
0x62: {  	[spmem:s3] =	stream.indirect.scatter.add.f32 [tilespmem:s17], [sflag:$0x3], $0x80, s30, s16, $0xb8;
	[tilespmem:$0x1F000] =	vst v63  }
0x63: {  	_ =	swait.ge [sflag:s20], $0x4000  }
0x64: {  	[sflag:s20] =	ssyncset.done $0x0  }
0x65: {  	s31 =	simm.s32 $0x1880;
	[sflag:s20] =	ssyncadd.s32 $0xFFFFC000  }
0x66: {  	[spmem:s3] =	stream.indirect.scatter.add.f32 [tilespmem:s18], [sflag:$0x4], $0x80, s31, s16, $0xb8;
	[tilespmem:$0x1F000] =	vst v63  }
0x67: {  	_ =	swait.ge [sflag:s21], $0x4000  }
0x68: {  	[sflag:s21] =	ssyncset.done $0x0  }
0x69: {  	[sflag:s21] =	ssyncadd.s32 $0xFFFFC000  }
0x6a: {  	_ =	swait.ge [sflag:s22], $0x4000  }
0x6b: {  	s25 =	simm.s32 $0x800;
	s24 =	simm.s32 $0x400;
	[sflag:s22] =	ssyncset.done $0x0  }
.LBB2_4:
0x6c: {  	s26 =	sshra.s32 s24, $0x2  }
0x6d: {  	[sflag:s22] =	ssyncadd.s32 $0xFFFFC000;
	s24 =	smov.u32 s25;
	s28 =	sadd.s32 $0x400, s25  }
0x6e: {  	[tilespmem:s17], [sflag:$0x1] =	stream.indirect.gather [hbm4b:s1+s16], $0x80, s26, s16, $0xb8;
	[tilespmem:$0x1F000] =	vst v63  }
0x6f: {  	p0 =	sne.s32 s25, $0x4000;
	s25 =	sadd.s32 $0x80, s26  }
0x70: {  	[tilespmem:s18], [sflag:$0x2] =	stream.indirect.gather [hbm4b:s1+s16], $0x80, s25, s16, $0xb8;
	[tilespmem:$0x1F000] =	vst v63  }
0x71: {  	_ =	swait.ge [sflag:s19], $0x4000  }
0x72: {  	[sflag:s19] =	ssyncset.done $0x0  }
0x73: {  	s25 =	sadd.s32 $0x1800, s26;
	[sflag:s19] =	ssyncadd.s32 $0xFFFFC000  }
0x74: {  	[spmem:s3] =	stream.indirect.scatter.add.f32 [tilespmem:s17], [sflag:$0x3], $0x80, s25, s16, $0xb8;
	[tilespmem:$0x1F000] =	vst v63  }
0x75: {  	_ =	swait.ge [sflag:s20], $0x4000  }
0x76: {  	[sflag:s20] =	ssyncset.done $0x0  }
0x77: {  	s25 =	sadd.s32 $0x1880, s26;
	[sflag:s20] =	ssyncadd.s32 $0xFFFFC000  }
0x78: {  	[spmem:s3] =	stream.indirect.scatter.add.f32 [tilespmem:s18], [sflag:$0x4], $0x80, s25, s16, $0xb8;
	[tilespmem:$0x1F000] =	vst v63  }
.Ltmp1:
0x79: {  	_ =	swait.ge [sflag:s21], $0x4000;
	(pc) =	sbr.rel @p0 .LBB2_4-.Ltmp1, $4  }
0x7a: {  	[sflag:s21] =	ssyncset.done $0x0  }
0x7b: {  	[sflag:s21] =	ssyncadd.s32 $0xFFFFC000  }
0x7c: {  	_ =	swait.ge [sflag:s22], $0x4000  }
0x7d: {  	s25 =	smov.u32 s28;
	[sflag:s22] =	ssyncset.done $0x0  }
0x7e: {  	s24 =	sshra.s32 s24, $0x2;
	[sflag:s22] =	ssyncadd.s32 $0xFFFFC000  }
0x7f: {  	[tilespmem:s17], [sflag:$0x1] =	stream.indirect.gather [hbm4b:s1+s16], $0x80, s24, s16, $0xb8;
	[tilespmem:$0x1F000] =	vst v63  }
0x80: {  	s25 =	sadd.s32 $0x80, s24  }
0x81: {  	[tilespmem:s18], [sflag:$0x2] =	stream.indirect.gather [hbm4b:s1+s16], $0x80, s25, s16, $0xb8;
	[tilespmem:$0x1F000] =	vst v63  }
0x82: {  	_ =	swait.ge [sflag:s19], $0x4000  }
0x83: {  	[sflag:s19] =	ssyncset.done $0x0  }
0x84: {  	s31 =	sadd.s32 $0x1800, s24;
	[sflag:s19] =	ssyncadd.s32 $0xFFFFC000  }
0x85: {  	[spmem:s3] =	stream.indirect.scatter.add.f32 [tilespmem:s17], [sflag:$0x3], $0x80, s31, s16, $0xb8;
	[tilespmem:$0x1F000] =	vst v63  }
0x86: {  	_ =	swait.ge [sflag:s20], $0x4000  }
0x87: {  	[sflag:s20] =	ssyncset.done $0x0  }
0x88: {  	s24 =	sadd.s32 $0x1880, s24;
	[sflag:s20] =	ssyncadd.s32 $0xFFFFC000  }
0x89: {  	[spmem:s3] =	stream.indirect.scatter.add.f32 [tilespmem:s18], [sflag:$0x4], $0x80, s24, s16, $0xb8;
	[tilespmem:$0x1F000] =	vst v63  }
0x8a: {  	_ =	swait.ge [sflag:s21], $0x4000  }
0x8b: {  	[sflag:s21] =	ssyncset.done $0x0  }
0x8c: {  	[sflag:s21] =	ssyncadd.s32 $0xFFFFC000  }
0x8d: {  	_ =	swait.ge [sflag:s22], $0x4000  }
0x8e: {  	s23 =	sadd.s32 $0x1, s23;
	[sflag:s22] =	ssyncset.done $0x0  }
0x8f: {  	p0 =	sne.s32 s23, s12;
	[sflag:s22] =	ssyncadd.s32 $0xFFFFC000  }
.Ltmp2:
0x90: {  	[bflag:$0x0] =	sbarrier.arrive $0xFFFF;
	(pc) =	sbr.rel @p0 .LBB2_1-.Ltmp2, $4  }
0x91: {  	[hbm:s11], [sflag:s6] =	dma.local [spmem:s13], $0x2800  }
0x92: {  	_ =	swait.ge [sflag:s14], $0x2800  }
0x93: {  	[sflag:s14] =	ssyncset.done $0x0  }
0x94: {  	[sflag:s14] =	ssyncadd.s32 $0xFFFFD800  }
0x95: {  	_ =	sfence.sel $0x180000  }
0x96: {  	[bflag:$0x0] =	sbarrier.arrive $0xFFFF  }
0x97: {  	p0 =	sne.s32 s2, $0x0;
	_ =	strace $0x9000004D  }
0x98: {  	s0 =	sadd.s32 @!p0 $0x100000, s0;
	[bflag:$0x2] =	sbarrier.arrive $0xFFFF  }
0x99: {  	[sflag:s0] =	ssyncadd.tile.s32 @!p0 $0x1;
	_ =	shalt  }
.Lfunc_end2:
_tile_overlayer_lowered:
.L_overlay_start_2:
0x9a: {  	(tag) =	ssettag $0x2  }
0x9b: {  	s0 =	rddreg [dreg:$0x0];
	s2 =	stileid.u32  }
0x9c: {  	s1 =	rddreg [dreg:$0x1];
	p0 =	sne.s32 s2, $0x0  }
0x9d: {  	s3 =	rddreg [dreg:$0x2];
	[bflag:$0x3] =	sbarrier.arrive $0xFFFF;
	s2 =	simm.s32 @!p0 $0x1C05  }
0x9e: {  	[timem:s3], [sflag:s2] =	dma.local @!p0 [hbm:s0], s1  }
0x9f: {  	s0 =	simm.s32 @!p0 $0x5  }
0xa0: {  	_ =	swait.ge @!p0 [sflag:s0], s1  }
0xa1: {  	s1 =	ssub.s32 @!p0 $0x0, s1;
	[sflag:s0] =	ssyncset.done @!p0 $0x0  }
0xa2: {  	[sflag:s0] =	ssyncadd.s32 @!p0 s1  }
0xa3: {  	[bflag:$0x3] =	sbarrier.arrive $0xFFFF  }
0xa4: {  	_ =	shalt  }

// kernel: kernel.9.cloned.1.call-start
scs
__scs_entry_jumppad:
0x0: {  	(pc) =	sbr.rel $0x88, $3  }
0x1: {  	(tag) =	ssettag $0x0;
	lr =	simm.s32 $0x1  }
0x2: {  	[smem:$0x3F9B] =	sst lr;
	_ =	strace $0xD0000000  }
0x3: {  	_ = 	snop  }
0x4: {  	_ = 	snop  }
0x5: {  	_ = 	snop  }
0x6: {  	_ = 	snop  }
0x7: {  	_ = 	snop  }
__scs_overlays_trampoline_lowered:
0x8: {  	[smem:$0x3FAA] =	sst s0  }
0x9: {  	[smem:$0x3FAB] =	sst s1  }
0xa: {  	[smem:$0x3FAC] =	sst s2  }
0xb: {  	[smem:$0x3FAD] =	sst s3  }
0xc: {  	[smem:$0x3FAE] =	sst s4  }
0xd: {  	[smem:$0x3FAF] =	sst s5  }
0xe: {  	[smem:$0x3FB0] =	sst s6  }
0xf: {  	[smem:$0x3FB1] =	sst s7  }
0x10: {  	[smem:$0x3FB2] =	sst s8  }
0x11: {  	[smem:$0x3FB3] =	sst s9;
	s0 =	simm.s32 @!p0 $0x0  }
0x12: {  	s1 =	sld [smem:$0x3F99];
	s0 =	simm.s32 @p0 $0x1  }
0x13: {  	[smem:$0x3FB4] =	sst s0;
	s0 =	simm.s32 @!p1 $0x0  }
0x14: {  	s2 =	sld [smem:$0x3F98];
	s0 =	simm.s32 @p1 $0x1  }
0x15: {  	[smem:$0x3FB5] =	sst s0;
	s0 =	simm.s32 @!p2 $0x0  }
0x16: {  	s3 =	sld [smem:$0x3FDB];
	s0 =	simm.s32 @p2 $0x1  }
0x17: {  	s4 =	simm.s32 $0x1BF5;
	[smem:$0x3FB7] =	sst s0  }
0x18: {  	s0 =	sld [smem:$0x3F9A];
	_ =	swait.ge [sflag:s4], $0x0  }
0x19: {  	s7 =	sld [smem:$0x3F9B]  }
0x1a: {  	s8 =	sadd.s32 $0xFFFFE003, lr  }
0x1b: {  	s9 =	sadd.s32 $0xFFFFFEF7, lr;
	s5 =	simm.s32 $0xFFFFFFFF;
	p2 =	slt.u32 s8, $0xFFFFF086  }
0x1c: {  	p1 =	slt.u32 s9, $0xF7A;
	s5 =	simm.s32 @!p2 $0x0  }
0x1d: {  	s5 =	simm.s32 @p1 $0x1;
	p0 =	seq.s32 s7, s2  }
0x1e: {  	s7 =	smul.u32 @!p0 $0xF7A, s2;
	p2 =	seq.s32 @!p0 s5, $0x0  }
0x1f: {  	s9 =	smul.u32 $0xF7A, s1;
	s8 =	simm.s32 @!p0 $0x1BF5;
	p2 =	por !p2, p0  }
0x20: {  	[sflag:s8] =	ssyncset.s32 @!p0 $0xFFFFF086;
	s6 =	sadd.s32 @!p0 s3, s7;
	s7 =	simm.s32 @!p0 $0x108  }
0x21: {  	s3 =	sadd.s32 s3, s9;
	s6 =	sadd.s32 @!p0 $0x88, s6;
	s7 =	simm.s32 @p2 $0x1082  }
0x22: {  	[simem:s7], [sflag:s8] =	dma.local @!p0 [hbm:s6], $0xF7A  }
0x23: {  	s9 =	sor.u32 $0xD0000000, s2;
	s6 =	simm.s32 $0x108;
	_ =	swait.ge @!p0 [sflag:s8], $0x0  }
0x24: {  	s3 =	sadd.s32 $0x88, s3;
	s6 =	simm.s32 @!p1 $0x1082;
	[sflag:s4] =	ssyncset.s32 $0xFFFFF086  }
0x25: {  	[simem:s6], [sflag:s4] =	dma.local [hbm:s3], $0xF7A  }
0x26: {  	[smem:$0x3F9B] =	sst s1;
	(tag) =	ssettag s2;
	_ =	strace s9  }
0x27: {  	s1 =	sld [smem:$0x3FAB]  }
0x28: {  	s2 =	sld [smem:$0x3FAC]  }
0x29: {  	s4 =	sld [smem:$0x3FAE]  }
0x2a: {  	p0 =	seq.s32 s5, $0x0;
	s5 =	sld [smem:$0x3FAF]  }
0x2b: {  	s6 =	sld [smem:$0x3FB0]  }
0x2c: {  	s7 =	sld [smem:$0x3FB1]  }
0x2d: {  	s3 =	simm.s32 $0x108;
	s8 =	sld [smem:$0x3FB2]  }
0x2e: {  	s3 =	simm.s32 @!p0 $0x1082;
	s9 =	sld [smem:$0x3FB3]  }
0x2f: {  	lr =	sadd.s32 s0, s3;
	s0 =	sld [smem:$0x3FAA]  }
0x30: {  	s3 =	sld [smem:$0x3FAD]  }
0x31: {  	[smem:$0x3FB6] =	sst s10  }
0x32: {  	s10 =	sld [smem:$0x3FB4];
	_ =	sdelay $0x3  }
0x33: {  	p0 =	seq.s32 s10, $0x1;
	s10 =	sld [smem:$0x3FB6];
	_ =	sdelay $0x3  }
0x34: {  	[smem:$0x3FB6] =	sst s10  }
0x35: {  	s10 =	sld [smem:$0x3FB5];
	_ =	sdelay $0x3  }
0x36: {  	p1 =	seq.s32 s10, $0x1;
	s10 =	sld [smem:$0x3FB6];
	_ =	sdelay $0x3  }
0x37: {  	[smem:$0x3FB6] =	sst s10  }
0x38: {  	s10 =	sld [smem:$0x3FB7]  }
0x39: {  	_ = 	snop;
	(pc) =	sbr.ind lr, $3  }
0x3a: {  	_ = 	snop  }
0x3b: {  	_ = 	snop  }
0x3c: {  	p2 =	seq.s32 s10, $0x1;
	s10 =	sld [smem:$0x3FB6]  }
0x3d: {  	_ =	shalt  }
0x3e: {  	_ =	shalt  }
0x3f: {  	_ =	shalt  }
0x40: {  	_ =	shalt  }
0x41: {  	_ =	shalt  }
0x42: {  	_ =	shalt  }
0x43: {  	_ =	shalt  }
0x44: {  	_ =	shalt  }
0x45: {  	_ =	shalt  }
0x46: {  	_ =	shalt  }
0x47: {  	_ =	shalt  }
0x48: {  	_ =	shalt  }
0x49: {  	_ =	shalt  }
0x4a: {  	_ =	shalt  }
0x4b: {  	_ =	shalt  }
0x4c: {  	_ =	shalt  }
0x4d: {  	_ =	shalt  }
0x4e: {  	_ =	shalt  }
0x4f: {  	_ =	shalt  }
0x50: {  	_ =	shalt  }
0x51: {  	_ =	shalt  }
0x52: {  	_ =	shalt  }
0x53: {  	_ =	shalt  }
0x54: {  	_ =	shalt  }
0x55: {  	_ =	shalt  }
0x56: {  	_ =	shalt  }
0x57: {  	_ =	shalt  }
0x58: {  	_ =	shalt  }
0x59: {  	_ =	shalt  }
0x5a: {  	_ =	shalt  }
0x5b: {  	_ =	shalt  }
0x5c: {  	_ =	shalt  }
0x5d: {  	_ =	shalt  }
0x5e: {  	_ =	shalt  }
0x5f: {  	_ =	shalt  }
0x60: {  	_ =	shalt  }
0x61: {  	_ =	shalt  }
0x62: {  	_ =	shalt  }
0x63: {  	_ =	shalt  }
0x64: {  	_ =	shalt  }
0x65: {  	_ =	shalt  }
0x66: {  	_ =	shalt  }
0x67: {  	_ =	shalt  }
0x68: {  	_ =	shalt  }
0x69: {  	_ =	shalt  }
0x6a: {  	_ =	shalt  }
0x6b: {  	_ =	shalt  }
0x6c: {  	_ =	shalt  }
0x6d: {  	_ =	shalt  }
0x6e: {  	_ =	shalt  }
0x6f: {  	_ =	shalt  }
0x70: {  	_ =	shalt  }
0x71: {  	_ =	shalt  }
0x72: {  	_ =	shalt  }
0x73: {  	_ =	shalt  }
0x74: {  	_ =	shalt  }
0x75: {  	_ =	shalt  }
0x76: {  	_ =	shalt  }
0x77: {  	_ =	shalt  }
0x78: {  	_ =	shalt  }
0x79: {  	_ =	shalt  }
0x7a: {  	_ =	shalt  }
0x7b: {  	_ =	shalt  }
0x7c: {  	_ =	shalt  }
0x7d: {  	_ =	shalt  }
0x7e: {  	_ =	shalt  }
0x7f: {  	_ =	shalt  }
0x80: {  	_ =	shalt  }
0x81: {  	_ =	shalt  }
0x82: {  	_ =	shalt  }
0x83: {  	_ =	shalt  }
0x84: {  	_ =	shalt  }
0x85: {  	_ =	shalt  }
0x86: {  	_ =	shalt  }
0x87: {  	_ =	shalt  }
.Lfunc_end0:
.L_simem_size_0:
called_computation_lowered:
.L_overlay_start_0:
0x88: {  	s2 =	sld [smem:$0x3FD9]  }
0x89: {  	s3 =	sld [smem:$0x3FFE];
	_ =	sdelay $0x1  }
0x8a: {  	s1 =	srdreg.scid  }
0x8b: {  	s0 =	sand.u32 $0x1, s1  }
0x8c: {  	s17 =	sshll.u32 s0, $0xA;
	s2 =	sadd.s32 s3, s2  }
0x8d: {  	s2 =	sadd.s32 s2, s17  }
0x8e: {  	[smem:$0x3FC2] =	sst s2  }
0x8f: {  	_ = 	snop  }
0x90: {  	s2 =	sld [smem:$0x3FD0];
	(tm) =	ssettm $0x1  }
0x91: {  	s18 =	sld [smem:$0x3FFB];
	_ =	sdelay $0x3  }
0x92: {  	_ =	strace s18  }
0x93: {  	s3 =	sld [smem:$0x3FFC];
	_ =	sdelay $0x3  }
0x94: {  	_ =	strace s3  }
0x95: {  	s3 =	sld [smem:$0x3FFD];
	_ =	sdelay $0x3  }
0x96: {  	_ =	strace s3  }
0x97: {  	_ =	strace $0x8FFFFFFF  }
0x98: {  	s19 =	sld [smem:$0x3FDB];
	_ =	sdelay $0x1  }
0x99: {  	s4 =	simm.s32 $_scs_section_size  }
0x9a: {  	s5 =	simm.s32 $_size__tile_overlayer_lowered;
	s6 =	simm.s32 $_tile_overlayer_lowered  }
0x9b: {  	s22 =	simm.s32 $0x1BFF;
	s21 =	sshll.u32 s6, $0x1;
	s3 =	sadd.s32 s4, s19  }
0x9c: {  	s7 =	simm.s32 $0x0;
	s20 =	sshll.u32 s5, $0x1;
	s5 =	sadd.s32 s21, s3  }
0x9d: {  	[timem:s7], [sflag:s22] =	dma.local [hbm:s5], s20  }
0x9e: {  	_ =	swait.ge [sflag:s22], s20  }
0x9f: {  	s4 =	ssub.s32 $0x0, s20;
	[sflag:s22] =	ssyncset.done $0x0  }
0xa0: {  	[sflag:s22] =	ssyncadd.s32 s4;
	_ =	sdelay $0x1  }
0xa1: {  	s23 =	simm.s32 $0x1B8B  }
0xa2: {  	_ =	swait.ge [sflag:s23], $0x1  }
0xa3: {  	[sflag:s23] =	ssyncset.done $0x0  }
0xa4: {  	s25 =	simm.s32 $0x1B8E;
	s24 =	sld [smem:$0x3FFE];
	[sflag:s23] =	ssyncadd.s32 $0xFFFFFFFF  }
0xa5: {  	s26 =	simm.s32 $execute0_lowered;
	[smem:$0x3FD2] =	sst s25  }
0xa6: {  	s5 =	sshll.u32 s26, $0x1;
	_ =	strace $0x80000046;
	[dreg:$0x1] =	wrdreg $0xFFFFFFFF  }
0xa7: {  	s28 =	simm.s32 $_size_execute0_lowered;
	s3 =	sadd.s32 s3, s5;
	[dreg:$0x0] =	wrdreg $0x0  }
0xa8: {  	s5 =	sshll.u32 s28, $0x1;
	[dreg:$0x2] =	wrdreg s3  }
0xa9: {  	[dreg:$0x3] =	wrdreg s5  }
0xaa: {  	[dreg:$0x4] =	wrdreg $0xC0  }
0xab: {  	_ =	task [dreg:s7], $0x5FFFF  }
0xac: {  	[dreg:$0x1] =	wrdreg $0xFFFFFFFF  }
0xad: {  	[dreg:$0x0] =	wrdreg $0x60  }
0xae: {  	[dreg:$0x2] =	wrdreg s24  }
0xaf: {  	[dreg:$0x3] =	wrdreg s2  }
0xb0: {  	[dreg:$0x4] =	wrdreg $0x2C800  }
0xb1: {  	[dreg:$0x5] =	wrdreg $0x9  }
0xb2: {  	_ =	task.clear_ibuf [dreg:s7], $0x6FFFF;
	_ =	strace $0x90000046  }
0xb3: {  	s29 =	simm.s32 $0x9;
	_ =	strace $0x80000048  }
0xb4: {  	_ =	swait.ge [sflag:s29], $0x1  }
0xb5: {  	[sflag:s29] =	ssyncadd.s32 $0xFFFFFFFF  }
0xb6: {  	_ =	strace $0x90000048  }
0xb7: {  	_ =	sfence  }
0xb8: {  	s30 =	sld [smem:$0x0];
	_ =	sdelay $0x2  }
0xb9: {  	s31 =	sshll.u32 s1, $0xD;
	s1 =	sshrl.u32 s1, $0x2  }
0xba: {  	s3 =	sand.u32 $0x4000, s31;
	s1 =	sadd.s32 s1, s30  }
0xbb: {  	s0 =	sor.u32 s3, s0;
	s1 =	sshll.u32 s1, $0x11  }
0xbc: {  	s0 =	sor.u32 s1, s0  }
0xbd: {  	s0 =	sadd.s32 $0x8F2B, s0  }
0xbe: {  	[sflag:s0] =	ssyncadd.remote.s32 $0x1  }
0xbf: {  	_ =	sfence.sel $0xFFFF  }
0xc0: {  	[dreg:$0x0] =	wrdreg $0xFFFFFFFF;
	(pc) =	sbr.abs _section_cstart, $3  }
0xc1: {  	[dreg:$0x1] =	wrdreg $0xFFFFFFFF  }
0xc2: {  	_ =	task.clear_ibuf [dreg:s7], $0x2FFFF;
	_ =	strace $0x9FFFFFFF  }
0xc3: {  	(tm) =	ssettm $0x7FFFFFFF  }
tec
execute0_lowered:
.L_overlay_start_1:
0x0: {  	(tag) =	ssettag $0x1  }
0x1: {  	s4 =	rddreg [dreg:$0x0]  }
0x2: {  	s1 =	srdreg.scid;
	s7 =	rddreg [dreg:$0x1]  }
0x3: {  	s0 =	stileid.u32;
	s2 =	rddreg [dreg:$0x2];
	s3 =	simm.s32 $0x0  }
0x4: {  	s12 =	simm.s32 $0x2C00;
	s13 =	simm.s32 $0x0;
	s5 =	sand.u32 $0x1, s1  }
0x5: {  	s29 =	sshll.u32 s0, $0x1;
	s8 =	smul.u32 $0x280, s0;
	[smem:$0x7FF] =	sst s3  }
0x6: {  	s1 =	sor.u32 s5, s29;
	s9 =	ssub.s32 $0x2, s5;
	s5 =	smul.u32 $0x2800, s5  }
0x7: {  	s31 =	sshll.u32 s0, $0x6;
	s6 =	smul.u32 $0x580, s1;
	s1 =	rddreg [dreg:$0x3]  }
0x8: {  	_ =	strace $0x80000047;
	s10 =	sshrl.u32 s9, $0x1;
	s30 =	sadd.s32 s8, s2  }
0x9: {  	s9 =	ssub.s32 s9, s10;
	s5 =	sadd.s32 s8, s5;
	s10 =	simm.s32 $0x1  }
0xa: {  	s6 =	sadd.s32 s6, s4;
	s4 =	sadd.s32 $0xCE00, s4;
	s11 =	sshrl.u32 s5, $0x3  }
0xb: {  	s5 =	sor.u32 $0x1C01, s31;
	s8 =	smax.u32 s9, $0x1;
	s9 =	sshrl.u32 s30, $0x3  }
0xc: {  	v0 =	vimm.f32 $1.000000000e+00;
	s6 =	sadd.s32 $0x1E00, s6;
	s7 =	sadd.s32 s7, s11;
	s11 =	simm.s32 $0x80  }
.LBB2_1:
0xd: {  	[spmem:s9], [sflag:s5] =	dma.local [hbm:s4], $0x50  }
0xe: {  	_ =	swait.ge [sflag:s10], $0x50  }
0xf: {  	[sflag:s10] =	ssyncset.done $0x0  }
0x10: {  	[sflag:s10] =	ssyncadd.s32 $0xFFFFFFB0  }
0x11: {  	[tilespmem:s3], [sflag:$0x1] =	stream.linear.gather [hbm4b:s6+s3], $0x2C00, $0x38;
	[tilespmem:$0x2F00] =	vst v63  }
0x12: {  	_ =	swait.ge [sflag:s10], $0x2C00  }
0x13: {  	[sflag:s10] =	ssyncset.done $0x0  }
0x14: {  	[sflag:s10] =	ssyncadd.s32 $0xFFFFD400  }
0x15: {  	[tilespmem:$0x2C00] =	vst v0  }
0x16: {  	[tilespmem:$0x2C10] =	vst v0  }
0x17: {  	[tilespmem:$0x2C20] =	vst v0  }
0x18: {  	[tilespmem:$0x2C30] =	vst v0  }
0x19: {  	[tilespmem:$0x2C40] =	vst v0  }
0x1a: {  	[tilespmem:$0x2C50] =	vst v0  }
0x1b: {  	[tilespmem:$0x2C60] =	vst v0  }
0x1c: {  	[tilespmem:$0x2C70] =	vst v0  }
0x1d: {  	s14 =	simm.s32 $0x0;
	[bflag:$0x0] =	sbarrier.arrive $0xFFFF  }
0x1e: {  	[spmem:s2] =	stream.indirect.scatter.add.f32 [tilespmem:s12], [sflag:$0x1], $0x1, s14, s11, $0xb8;
	[tilespmem:$0x2F00] =	vst v63  }
0x1f: {  	_ =	swait.ge [sflag:s10], $0x80  }
0x20: {  	s14 =	simm.s32 $0x200;
	[sflag:s10] =	ssyncset.done $0x0  }
.LBB2_2:
0x21: {  	s15 =	sshra.s32 s14, $0x2;
	[sflag:s10] =	ssyncadd.s32 $0xFFFFFF80;
	p0 =	sne.s32 s14, $0xA000  }
0x22: {  	[spmem:s2] =	stream.indirect.scatter.add.f32 [tilespmem:s12], [sflag:$0x1], $0x1, s15, s11, $0xb8;
	[tilespmem:$0x2F00] =	vst v63  }
.Ltmp0:
0x23: {  	_ = 	snop;
	(pc) =	sbr.rel @p0 .LBB2_2-.Ltmp0, $4  }
0x24: {  	_ = 	snop  }
0x25: {  	s14 =	sadd.s32 $0x200, s14  }
0x26: {  	_ =	swait.ge [sflag:s10], $0x80  }
0x27: {  	[sflag:s10] =	ssyncset.done $0x0  }
0x28: {  	s13 =	sadd.s32 $0x1, s13  }
0x29: {  	[sflag:s10] =	ssyncadd.s32 $0xFFFFFF80;
	p0 =	sne.s32 s13, s8  }
.Ltmp1:
0x2a: {  	[bflag:$0x0] =	sbarrier.arrive $0xFFFF;
	(pc) =	sbr.rel @p0 .LBB2_1-.Ltmp1, $4  }
0x2b: {  	[hbm:s7], [sflag:s5] =	dma.local [spmem:s9], $0x50  }
0x2c: {  	_ =	swait.ge [sflag:s10], $0x50  }
0x2d: {  	[sflag:s10] =	ssyncset.done $0x0  }
0x2e: {  	[sflag:s10] =	ssyncadd.s32 $0xFFFFFFB0  }
0x2f: {  	_ =	sfence.sel $0x180000  }
0x30: {  	[bflag:$0x0] =	sbarrier.arrive $0xFFFF  }
0x31: {  	p0 =	sne.s32 s0, $0x0;
	_ =	strace $0x90000047  }
0x32: {  	s0 =	sadd.s32 @!p0 $0x100000, s1;
	[bflag:$0x2] =	sbarrier.arrive $0xFFFF  }
0x33: {  	[sflag:s0] =	ssyncadd.tile.s32 @!p0 $0x1;
	_ =	shalt  }
.Lfunc_end2:
_tile_overlayer_lowered:
.L_overlay_start_2:
0x34: {  	(tag) =	ssettag $0x2  }
0x35: {  	s0 =	rddreg [dreg:$0x0];
	s2 =	stileid.u32  }
0x36: {  	s1 =	rddreg [dreg:$0x1];
	p0 =	sne.s32 s2, $0x0  }
0x37: {  	s3 =	rddreg [dreg:$0x2];
	[bflag:$0x3] =	sbarrier.arrive $0xFFFF;
	s2 =	simm.s32 @!p0 $0x1C01  }
0x38: {  	[timem:s3], [sflag:s2] =	dma.local @!p0 [hbm:s0], s1  }
0x39: {  	s0 =	simm.s32 @!p0 $0x1  }
0x3a: {  	_ =	swait.ge @!p0 [sflag:s0], s1  }
0x3b: {  	s1 =	ssub.s32 @!p0 $0x0, s1;
	[sflag:s0] =	ssyncset.done @!p0 $0x0  }
0x3c: {  	[sflag:s0] =	ssyncadd.s32 @!p0 s1  }
0x3d: {  	[bflag:$0x3] =	sbarrier.arrive $0xFFFF  }
0x3e: {  	_ =	shalt  }

</sc_bundles>
